<compile_context>
chip_gen: v7x
topology: tpu7x:2x2x1
jax: 0.10.2.dev20260603
libtpu: 0.0.44.dev20260713+nightly
codegen_flags: <defaults>
</compile_context>

<pallas_src>
import functools

import jax
import jax.numpy as jnp
from jax import lax
from jax.experimental import pallas as pl
from jax.experimental.pallas import tpu as pltpu
from jax.experimental.pallas import tpu_sc as plsc

FEAT = 32
D = FEAT + 1
DOUT = 2 * FEAT + 1
CLAMP = 3.0
B = 524288
L = 16
NC = 2
NS = 16
NW = NC * NS
PW = B // NW
C = 512
G = 128
NCHUNK = PW // C


def _sc_body(fine_hbm, coarse_hbm, fidx_hbm, cidx_hbm, out_hbm,
             fidx_v, cidx_v, fidx2_v, cidx2_v, ff_v, cf_v, out_v, fsem, csem):
    wid = lax.axis_index("s") * NC + lax.axis_index("c")
    base_w = wid * PW
    lanes = jnp.arange(L, dtype=jnp.int32)
    col32 = jnp.full((L,), FEAT, jnp.int32)
    col64 = jnp.full((L,), 2 * FEAT, jnp.int32)

    def chunk_body(k, _):
        base = base_w + k * C
        pltpu.sync_copy(fidx_hbm.at[pl.ds(base, C)], fidx_v)
        pltpu.sync_copy(cidx_hbm.at[pl.ds(base, C)], cidx_v)

        for j in range(C // G):
            def clamp_body(g, _, j=j):
                sl = pl.ds(j * G + g * L, L)
                f = jnp.maximum(fidx_v[sl], 0)
                c = jnp.maximum(cidx_v[sl], 0)
                fidx_v[sl] = f
                cidx_v[sl] = c
                fidx2_v[j, pl.ds(g * L, L)] = f
                cidx2_v[j, pl.ds(g * L, L)] = c
                return 0

            lax.fori_loop(0, G // L, clamp_body, 0)

        copies = []
        for j in range(C // G):
            copies.append(pltpu.async_copy(
                fine_hbm.at[fidx2_v.at[j]],
                ff_v.at[pl.ds(j * G, G), :], fsem))
            copies.append(pltpu.async_copy(
                coarse_hbm.at[cidx2_v.at[j]],
                cf_v.at[pl.ds(j * G, G), :], csem))
        for cp in copies:
            cp.wait()

        def grp(g, _):
            rows = g * L + lanes
            sl = pl.ds(g * L, L)
            fi = fidx_v[sl]
            ci = cidx_v[sl]
            ffd = plsc.load_gather(ff_v, [rows, col32])
            cfd = plsc.load_gather(cf_v, [rows, col32])
            fpos = fi > 0
            cpos = ci > 0
            zero = jnp.zeros((L,), jnp.float32)
            ffd = jnp.where(fpos, ffd, zero)
            cfd = jnp.where(cpos, cfd, zero)
            focc = fi >= 0
            cocc = ci >= 0
            dens = jnp.where(focc, ffd, cfd)
            dens = jnp.where(jnp.logical_or(focc, cocc), dens,
                             jnp.full((L,), -CLAMP, jnp.float32))
            plsc.store_scatter(out_v, [rows, col64], dens)

            @pl.when(jnp.min(fi) <= 0)
            def _():
                inval = jnp.logical_not(fpos)
                for c in range(FEAT):
                    plsc.store_scatter(
                        ff_v, [rows, jnp.full((L,), c, jnp.int32)], zero,
                        mask=inval)

            @pl.when(jnp.min(ci) <= 0)
            def _():
                inval = jnp.logical_not(cpos)
                for c in range(FEAT):
                    plsc.store_scatter(
                        cf_v, [rows, jnp.full((L,), c, jnp.int32)], zero,
                        mask=inval)

            return 0

        lax.fori_loop(0, C // L, grp, 0)

        def repack(p, _):
            out_v[p, pl.ds(0, L)] = ff_v[p, pl.ds(0, L)]
            out_v[p, pl.ds(L, L)] = ff_v[p, pl.ds(L, L)]
            out_v[p, pl.ds(2 * L, L)] = cf_v[p, pl.ds(0, L)]
            out_v[p, pl.ds(3 * L, L)] = cf_v[p, pl.ds(L, L)]
            return 0

        lax.fori_loop(0, C, repack, 0)

        pltpu.sync_copy(out_v, out_hbm.at[pl.ds(base, C), :])
        return 0

    lax.fori_loop(0, NCHUNK, chunk_body, 0)


@functools.partial(
    pl.kernel,
    mesh=plsc.VectorSubcoreMesh(core_axis_name="c", subcore_axis_name="s"),
    out_type=jax.ShapeDtypeStruct((B, DOUT), jnp.float32),
    scratch_types=[
        pltpu.VMEM((C,), jnp.int32),
        pltpu.VMEM((C,), jnp.int32),
        pltpu.VMEM((C // G, G), jnp.int32),
        pltpu.VMEM((C // G, G), jnp.int32),
        pltpu.VMEM((C, D), jnp.float32),
        pltpu.VMEM((C, D), jnp.float32),
        pltpu.VMEM((C, DOUT), jnp.float32),
        pltpu.SemaphoreType.DMA,
        pltpu.SemaphoreType.DMA,
    ],
    compiler_params=pltpu.CompilerParams(use_tc_tiling_on_sc=False,
                                         needs_layout_passes=False),
)
def _sc_gather(fine_hbm, coarse_hbm, fidx_hbm, cidx_hbm, out_hbm,
               fidx_v, cidx_v, fidx2_v, cidx2_v, ff_v, cf_v, out_v,
               fsem, csem):
    _sc_body(fine_hbm, coarse_hbm, fidx_hbm, cidx_hbm, out_hbm,
             fidx_v, cidx_v, fidx2_v, cidx2_v, ff_v, cf_v, out_v,
             fsem, csem)


def kernel(features_fine, features_coarse, point_index_fine, point_index_coarse):
    out = _sc_gather(features_fine, features_coarse,
                     point_index_fine.astype(jnp.int32),
                     point_index_coarse.astype(jnp.int32))
    return out[None]

# --- scband reference (transcript-rebuilt; emitter-appended) ---
"""Pipeline reference for scband-octree-importance-renderer-76948634075583 (READ-ONLY COPY).

The authoritative reference and input builder live on the scoring server;
editing this copy changes nothing except your own understanding.
"""

import jax, jax.numpy as jnp
import numpy as np

FEAT_SIZE = 32
DENSITY_CLAMP_VAL = 3.0
N_COORDS = 524288
N_FINE = 1000000
N_COARSE = 125000


def setup_inputs(seed: int = 0) -> dict:
    key = jax.random.key(seed)
    k1, k2, k3, k4 = jax.random.split(key, 4)
    features_fine = jax.random.normal(k1, (N_FINE, FEAT_SIZE + 1), dtype=jnp.float32)
    features_coarse = jax.random.normal(k2, (N_COARSE, FEAT_SIZE + 1), dtype=jnp.float32)
    point_index_fine = jax.random.randint(k3, (N_COORDS,), 0, N_FINE, dtype=jnp.int64 if jax.config.jax_enable_x64 else jnp.int32)
    point_index_coarse = jax.random.randint(k4, (N_COORDS,), 0, N_COARSE, dtype=jnp.int64 if jax.config.jax_enable_x64 else jnp.int32)
    return {
        "features_fine": features_fine,
        "features_coarse": features_coarse,
        "point_index_fine": point_index_fine,
        "point_index_coarse": point_index_coarse,
    }


def _collect_level(features, point_index):
    # mirrors: valid = point_index >= 0; point_index[~valid] = 0;
    # feat = gather(features, point_index); feat[point_index == 0] = 0
    valid = point_index >= 0
    safe_idx = jnp.where(valid, point_index, 0)
    feat_collected = jnp.take(features, safe_idx, axis=0)
    feat_collected = jnp.where((point_index == 0)[:, None], jnp.zeros_like(feat_collected), feat_collected)
    vmask = valid.astype(features.dtype)[:, None]
    feats = feat_collected[:, :-1] * vmask
    density = feat_collected[:, -1:] * vmask
    return feats, density, valid


def reference(features_fine, features_coarse, point_index_fine, point_index_coarse):
    # sample_from_octree over two octree levels (fine first, then coarse),
    # combining densities: fine density where fine voxel occupied, else coarse,
    # and -density_clamp_val where neither level is occupied.
    fine_feats, fine_density, fine_occ = _collect_level(features_fine, point_index_fine)
    coarse_feats, coarse_density, coarse_occ = _collect_level(features_coarse, point_index_coarse)
    fine_occ_f = fine_occ.astype(fine_density.dtype)[:, None]
    density = coarse_density * (1.0 - fine_occ_f) + fine_density * fine_occ_f
    all_occ = jnp.logical_or(coarse_occ, fine_occ)
    density = jnp.where(all_occ[:, None], density, jnp.full_like(density, -DENSITY_CLAMP_VAL))
    sampled_features = jnp.concatenate([fine_feats, coarse_feats, density], axis=1)[None, ...]
    return sampled_features

if __name__ == "__main__":
    import jax
    _d = setup_inputs()
    print(jax.jit(kernel)(*tuple(_d.values())))

</pallas_src>

<mosaic_0001>
#map = affine_map<(d0, d1) -> (0, 0)>
#map1 = affine_map<(d0, d1) -> (0)>
module attributes {stable_mosaic.version = 14 : i64} {
  func.func @_sc_gather(%arg0: i32, %arg1: i32, %arg2: memref<1000000x33xf32, #tpu.memory_space<hbm>>, %arg3: memref<125000x33xf32, #tpu.memory_space<hbm>>, %arg4: memref<524288xi32, #tpu.memory_space<hbm>>, %arg5: memref<524288xi32, #tpu.memory_space<hbm>>, %arg6: memref<524288x65xf32, #tpu.memory_space<hbm>>, %arg7: memref<512xi32, #tpu.memory_space<vmem>>, %arg8: memref<512xi32, #tpu.memory_space<vmem>>, %arg9: memref<4x128xi32, #tpu.memory_space<vmem>>, %arg10: memref<4x128xi32, #tpu.memory_space<vmem>>, %arg11: memref<512x33xf32, #tpu.memory_space<vmem>>, %arg12: memref<512x33xf32, #tpu.memory_space<vmem>>, %arg13: memref<512x65xf32, #tpu.memory_space<vmem>>, %arg14: memref<!tpu.dma_semaphore, #tpu.memory_space<semaphore_mem>>, %arg15: memref<!tpu.dma_semaphore, #tpu.memory_space<semaphore_mem>>) attributes {dimension_semantics = [#tpu.dimension_semantics<core_parallel>, #tpu.dimension_semantics<subcore_parallel>], iteration_bounds = array<i64: 2, 16>, scalar_prefetch = 0 : i64, scratch_operands = 9 : i64, tpu.core_type = #tpu.core_type<sc_vector_subcore>, window_params = [{transform_indices = #map}, {transform_indices = #map}, {transform_indices = #map1}, {transform_indices = #map1}, {transform_indices = #map}]} {
    %mul3A = arith.constant 2 : i32
    %mul3A_0 = arith.muli %arg1, %mul3A : i32
    %add3A = arith.addi %mul3A_0, %arg0 : i32
    %mul3A_1 = arith.constant 16384 : i32
    %mul3A_2 = arith.muli %add3A, %mul3A_1 : i32
    %iota3A = tpu.iota {dimensions = array<i32: 0>} : vector<16xi32>
    %broadcast_in_dim3A = arith.constant 32 : i32
    %broadcast_in_dim3A_3 = vector.broadcast %broadcast_in_dim3A : i32 to vector<16xi32>
    %broadcast_in_dim3A_4 = arith.constant 64 : i32
    %broadcast_in_dim3A_5 = vector.broadcast %broadcast_in_dim3A_4 : i32 to vector<16xi32>
    %scan3A = arith.constant 0 : i32
    %scan3A_6 = arith.constant 0 : i32
    %scan3A_7 = arith.constant 32 : i32
    %scan3A_8 = arith.addi %scan3A_6, %scan3A_7 : i32
    %scan3A_9 = arith.constant 1 : i32
    %scan3A_10 = scf.for %scan3A_12 = %scan3A_6 to %scan3A_8 step %scan3A_9 iter_args(%scan3A_13 = %scan3A) -> (i32)  : i32 {
      %mul3A_14 = arith.constant 512 : i32
      %mul3A_15 = arith.muli %scan3A_12, %mul3A_14 : i32
      %add3A_16 = arith.addi %mul3A_2, %mul3A_15 : i32
      "tpu.region"() ({
        %run_scoped3A = tpu.sem_alloc : memref<!tpu.dma_semaphore, #tpu.memory_space<semaphore_mem>>
        %dma_start3A_218 = tpu.memref_slice %arg4[%add3A_16] : memref<524288xi32, #tpu.memory_space<hbm>> -> memref<512xi32, #tpu.memory_space<hbm>>
        %dma_start3A_219 = tpu.memref_slice %arg4[%add3A_16] : memref<524288xi32, #tpu.memory_space<hbm>> -> memref<512xi32, #tpu.memory_space<hbm>>
        tpu.enqueue_dma source(%dma_start3A_219 : memref<512xi32, #tpu.memory_space<hbm>>) target(%arg7 : memref<512xi32, #tpu.memory_space<vmem>>) target_semaphore(%run_scoped3A : memref<!tpu.dma_semaphore, #tpu.memory_space<semaphore_mem>>)
        %dma_wait3A_220 = tpu.memref_slice %arg4[%add3A_16] : memref<524288xi32, #tpu.memory_space<hbm>> -> memref<512xi32, #tpu.memory_space<hbm>>
        %dma_wait3A_221 = tpu.memref_slice %arg4[%add3A_16] : memref<524288xi32, #tpu.memory_space<hbm>> -> memref<512xi32, #tpu.memory_space<hbm>>
        tpu.wait_dma2 semaphore(%run_scoped3A : memref<!tpu.dma_semaphore, #tpu.memory_space<semaphore_mem>>) src(%dma_wait3A_221 : memref<512xi32, #tpu.memory_space<hbm>>) dst(%arg7 : memref<512xi32, #tpu.memory_space<vmem>>)
        tpu.yield
      }) : () -> ()
      "tpu.region"() ({
        %run_scoped3A = tpu.sem_alloc : memref<!tpu.dma_semaphore, #tpu.memory_space<semaphore_mem>>
        %dma_start3A_218 = tpu.memref_slice %arg5[%add3A_16] : memref<524288xi32, #tpu.memory_space<hbm>> -> memref<512xi32, #tpu.memory_space<hbm>>
        %dma_start3A_219 = tpu.memref_slice %arg5[%add3A_16] : memref<524288xi32, #tpu.memory_space<hbm>> -> memref<512xi32, #tpu.memory_space<hbm>>
        tpu.enqueue_dma source(%dma_start3A_219 : memref<512xi32, #tpu.memory_space<hbm>>) target(%arg8 : memref<512xi32, #tpu.memory_space<vmem>>) target_semaphore(%run_scoped3A : memref<!tpu.dma_semaphore, #tpu.memory_space<semaphore_mem>>)
        %dma_wait3A_220 = tpu.memref_slice %arg5[%add3A_16] : memref<524288xi32, #tpu.memory_space<hbm>> -> memref<512xi32, #tpu.memory_space<hbm>>
        %dma_wait3A_221 = tpu.memref_slice %arg5[%add3A_16] : memref<524288xi32, #tpu.memory_space<hbm>> -> memref<512xi32, #tpu.memory_space<hbm>>
        tpu.wait_dma2 semaphore(%run_scoped3A : memref<!tpu.dma_semaphore, #tpu.memory_space<semaphore_mem>>) src(%dma_wait3A_221 : memref<512xi32, #tpu.memory_space<hbm>>) dst(%arg8 : memref<512xi32, #tpu.memory_space<vmem>>)
        tpu.yield
      }) : () -> ()
      %scan3A_17 = arith.constant 0 : i32
      %scan3A_18 = arith.constant 0 : i32
      %scan3A_19 = arith.constant 8 : i32
      %scan3A_20 = arith.addi %scan3A_18, %scan3A_19 : i32
      %scan3A_21 = arith.constant 1 : i32
      %scan3A_22 = scf.for %scan3A_218 = %scan3A_18 to %scan3A_20 step %scan3A_21 iter_args(%scan3A_219 = %scan3A_17) -> (i32)  : i32 {
        %mul3A_220 = arith.constant 16 : i32
        %mul3A_221 = arith.muli %scan3A_218, %mul3A_220 : i32
        %add3A_222 = arith.constant 0 : i32
        %add3A_223 = arith.addi %add3A_222, %mul3A_221 : i32
        %get3A = arith.index_cast %add3A_223 : i32 to index
        %get3A_224 = tpu.vector_load %arg7[%get3A] {strides = array<i32>} : memref<512xi32, #tpu.memory_space<vmem>>, vector<16xi32>,
        %max3A = arith.constant 0 : i32
        %max3A_225 = vector.broadcast %max3A : i32 to vector<16xi32>
        %max3A_226 = arith.maxsi %get3A_224, %max3A_225 : vector<16xi32>
        %get3A_227 = arith.index_cast %add3A_223 : i32 to index
        %get3A_228 = tpu.vector_load %arg8[%get3A_227] {strides = array<i32>} : memref<512xi32, #tpu.memory_space<vmem>>, vector<16xi32>,
        %max3A_229 = arith.constant 0 : i32
        %max3A_230 = vector.broadcast %max3A_229 : i32 to vector<16xi32>
        %max3A_231 = arith.maxsi %get3A_228, %max3A_230 : vector<16xi32>
        %swap3A = arith.index_cast %add3A_223 : i32 to index
        %swap3A_232 = tpu.vector_load %arg7[%swap3A] {strides = array<i32>} : memref<512xi32, #tpu.memory_space<vmem>>, vector<16xi32>,
        tpu.vector_store %arg7[%swap3A], %max3A_226 {strides = array<i32>} : memref<512xi32, #tpu.memory_space<vmem>>, vector<16xi32>,
        %swap3A_233 = arith.index_cast %add3A_223 : i32 to index
        %swap3A_234 = tpu.vector_load %arg8[%swap3A_233] {strides = array<i32>} : memref<512xi32, #tpu.memory_space<vmem>>, vector<16xi32>,
        tpu.vector_store %arg8[%swap3A_233], %max3A_231 {strides = array<i32>} : memref<512xi32, #tpu.memory_space<vmem>>, vector<16xi32>,
        %mul3A_235 = arith.constant 16 : i32
        %mul3A_236 = arith.muli %scan3A_218, %mul3A_235 : i32
        %swap3A_237 = arith.constant 0 : i32
        %swap3A_238 = arith.index_cast %swap3A_237 : i32 to index
        %swap3A_239 = arith.index_cast %mul3A_236 : i32 to index
        %swap3A_240 = tpu.vector_load %arg9[%swap3A_238, %swap3A_239] {strides = array<i32>} : memref<4x128xi32, #tpu.memory_space<vmem>>, vector<16xi32>,
        tpu.vector_store %arg9[%swap3A_238, %swap3A_239], %max3A_226 {strides = array<i32>} : memref<4x128xi32, #tpu.memory_space<vmem>>, vector<16xi32>,
        %mul3A_241 = arith.constant 16 : i32
        %mul3A_242 = arith.muli %scan3A_218, %mul3A_241 : i32
        %swap3A_243 = arith.constant 0 : i32
        %swap3A_244 = arith.index_cast %swap3A_243 : i32 to index
        %swap3A_245 = arith.index_cast %mul3A_242 : i32 to index
        %swap3A_246 = tpu.vector_load %arg10[%swap3A_244, %swap3A_245] {strides = array<i32>} : memref<4x128xi32, #tpu.memory_space<vmem>>, vector<16xi32>,
        tpu.vector_store %arg10[%swap3A_244, %swap3A_245], %max3A_231 {strides = array<i32>} : memref<4x128xi32, #tpu.memory_space<vmem>>, vector<16xi32>,
        %scan3A_247 = arith.constant 0 : i32
        scf.yield %scan3A_247 : i32
      }
      %scan3A_23 = arith.constant 8 : i32
      %scan3A_24 = arith.constant 0 : i32
      %scan3A_25 = arith.constant 0 : i32
      %scan3A_26 = arith.constant 8 : i32
      %scan3A_27 = arith.addi %scan3A_25, %scan3A_26 : i32
      %scan3A_28 = arith.constant 1 : i32
      %scan3A_29 = scf.for %scan3A_218 = %scan3A_25 to %scan3A_27 step %scan3A_28 iter_args(%scan3A_219 = %scan3A_24) -> (i32)  : i32 {
        %mul3A_220 = arith.constant 16 : i32
        %mul3A_221 = arith.muli %scan3A_218, %mul3A_220 : i32
        %add3A_222 = arith.constant 128 : i32
        %add3A_223 = arith.addi %add3A_222, %mul3A_221 : i32
        %get3A = arith.index_cast %add3A_223 : i32 to index
        %get3A_224 = tpu.vector_load %arg7[%get3A] {strides = array<i32>} : memref<512xi32, #tpu.memory_space<vmem>>, vector<16xi32>,
        %max3A = arith.constant 0 : i32
        %max3A_225 = vector.broadcast %max3A : i32 to vector<16xi32>
        %max3A_226 = arith.maxsi %get3A_224, %max3A_225 : vector<16xi32>
        %get3A_227 = arith.index_cast %add3A_223 : i32 to index
        %get3A_228 = tpu.vector_load %arg8[%get3A_227] {strides = array<i32>} : memref<512xi32, #tpu.memory_space<vmem>>, vector<16xi32>,
        %max3A_229 = arith.constant 0 : i32
        %max3A_230 = vector.broadcast %max3A_229 : i32 to vector<16xi32>
        %max3A_231 = arith.maxsi %get3A_228, %max3A_230 : vector<16xi32>
        %swap3A = arith.index_cast %add3A_223 : i32 to index
        %swap3A_232 = tpu.vector_load %arg7[%swap3A] {strides = array<i32>} : memref<512xi32, #tpu.memory_space<vmem>>, vector<16xi32>,
        tpu.vector_store %arg7[%swap3A], %max3A_226 {strides = array<i32>} : memref<512xi32, #tpu.memory_space<vmem>>, vector<16xi32>,
        %swap3A_233 = arith.index_cast %add3A_223 : i32 to index
        %swap3A_234 = tpu.vector_load %arg8[%swap3A_233] {strides = array<i32>} : memref<512xi32, #tpu.memory_space<vmem>>, vector<16xi32>,
        tpu.vector_store %arg8[%swap3A_233], %max3A_231 {strides = array<i32>} : memref<512xi32, #tpu.memory_space<vmem>>, vector<16xi32>,
        %mul3A_235 = arith.constant 16 : i32
        %mul3A_236 = arith.muli %scan3A_218, %mul3A_235 : i32
        %swap3A_237 = arith.constant 1 : i32
        %swap3A_238 = arith.index_cast %swap3A_237 : i32 to index
        %swap3A_239 = arith.index_cast %mul3A_236 : i32 to index
        %swap3A_240 = tpu.vector_load %arg9[%swap3A_238, %swap3A_239] {strides = array<i32>} : memref<4x128xi32, #tpu.memory_space<vmem>>, vector<16xi32>,
        tpu.vector_store %arg9[%swap3A_238, %swap3A_239], %max3A_226 {strides = array<i32>} : memref<4x128xi32, #tpu.memory_space<vmem>>, vector<16xi32>,
        %mul3A_241 = arith.constant 16 : i32
        %mul3A_242 = arith.muli %scan3A_218, %mul3A_241 : i32
        %swap3A_243 = arith.constant 1 : i32
        %swap3A_244 = arith.index_cast %swap3A_243 : i32 to index
        %swap3A_245 = arith.index_cast %mul3A_242 : i32 to index
        %swap3A_246 = tpu.vector_load %arg10[%swap3A_244, %swap3A_245] {strides = array<i32>} : memref<4x128xi32, #tpu.memory_space<vmem>>, vector<16xi32>,
        tpu.vector_store %arg10[%swap3A_244, %swap3A_245], %max3A_231 {strides = array<i32>} : memref<4x128xi32, #tpu.memory_space<vmem>>, vector<16xi32>,
        %scan3A_247 = arith.constant 0 : i32
        scf.yield %scan3A_247 : i32
      }
      %scan3A_30 = arith.constant 8 : i32
      %scan3A_31 = arith.constant 0 : i32
      %scan3A_32 = arith.constant 0 : i32
      %scan3A_33 = arith.constant 8 : i32
      %scan3A_34 = arith.addi %scan3A_32, %scan3A_33 : i32
      %scan3A_35 = arith.constant 1 : i32
      %scan3A_36 = scf.for %scan3A_218 = %scan3A_32 to %scan3A_34 step %scan3A_35 iter_args(%scan3A_219 = %scan3A_31) -> (i32)  : i32 {
        %mul3A_220 = arith.constant 16 : i32
        %mul3A_221 = arith.muli %scan3A_218, %mul3A_220 : i32
        %add3A_222 = arith.constant 256 : i32
        %add3A_223 = arith.addi %add3A_222, %mul3A_221 : i32
        %get3A = arith.index_cast %add3A_223 : i32 to index
        %get3A_224 = tpu.vector_load %arg7[%get3A] {strides = array<i32>} : memref<512xi32, #tpu.memory_space<vmem>>, vector<16xi32>,
        %max3A = arith.constant 0 : i32
        %max3A_225 = vector.broadcast %max3A : i32 to vector<16xi32>
        %max3A_226 = arith.maxsi %get3A_224, %max3A_225 : vector<16xi32>
        %get3A_227 = arith.index_cast %add3A_223 : i32 to index
        %get3A_228 = tpu.vector_load %arg8[%get3A_227] {strides = array<i32>} : memref<512xi32, #tpu.memory_space<vmem>>, vector<16xi32>,
        %max3A_229 = arith.constant 0 : i32
        %max3A_230 = vector.broadcast %max3A_229 : i32 to vector<16xi32>
        %max3A_231 = arith.maxsi %get3A_228, %max3A_230 : vector<16xi32>
        %swap3A = arith.index_cast %add3A_223 : i32 to index
        %swap3A_232 = tpu.vector_load %arg7[%swap3A] {strides = array<i32>} : memref<512xi32, #tpu.memory_space<vmem>>, vector<16xi32>,
        tpu.vector_store %arg7[%swap3A], %max3A_226 {strides = array<i32>} : memref<512xi32, #tpu.memory_space<vmem>>, vector<16xi32>,
        %swap3A_233 = arith.index_cast %add3A_223 : i32 to index
        %swap3A_234 = tpu.vector_load %arg8[%swap3A_233] {strides = array<i32>} : memref<512xi32, #tpu.memory_space<vmem>>, vector<16xi32>,
        tpu.vector_store %arg8[%swap3A_233], %max3A_231 {strides = array<i32>} : memref<512xi32, #tpu.memory_space<vmem>>, vector<16xi32>,
        %mul3A_235 = arith.constant 16 : i32
        %mul3A_236 = arith.muli %scan3A_218, %mul3A_235 : i32
        %swap3A_237 = arith.constant 2 : i32
        %swap3A_238 = arith.index_cast %swap3A_237 : i32 to index
        %swap3A_239 = arith.index_cast %mul3A_236 : i32 to index
        %swap3A_240 = tpu.vector_load %arg9[%swap3A_238, %swap3A_239] {strides = array<i32>} : memref<4x128xi32, #tpu.memory_space<vmem>>, vector<16xi32>,
        tpu.vector_store %arg9[%swap3A_238, %swap3A_239], %max3A_226 {strides = array<i32>} : memref<4x128xi32, #tpu.memory_space<vmem>>, vector<16xi32>,
        %mul3A_241 = arith.constant 16 : i32
        %mul3A_242 = arith.muli %scan3A_218, %mul3A_241 : i32
        %swap3A_243 = arith.constant 2 : i32
        %swap3A_244 = arith.index_cast %swap3A_243 : i32 to index
        %swap3A_245 = arith.index_cast %mul3A_242 : i32 to index
        %swap3A_246 = tpu.vector_load %arg10[%swap3A_244, %swap3A_245] {strides = array<i32>} : memref<4x128xi32, #tpu.memory_space<vmem>>, vector<16xi32>,
        tpu.vector_store %arg10[%swap3A_244, %swap3A_245], %max3A_231 {strides = array<i32>} : memref<4x128xi32, #tpu.memory_space<vmem>>, vector<16xi32>,
        %scan3A_247 = arith.constant 0 : i32
        scf.yield %scan3A_247 : i32
      }
      %scan3A_37 = arith.constant 8 : i32
      %scan3A_38 = arith.constant 0 : i32
      %scan3A_39 = arith.constant 0 : i32
      %scan3A_40 = arith.constant 8 : i32
      %scan3A_41 = arith.addi %scan3A_39, %scan3A_40 : i32
      %scan3A_42 = arith.constant 1 : i32
      %scan3A_43 = scf.for %scan3A_218 = %scan3A_39 to %scan3A_41 step %scan3A_42 iter_args(%scan3A_219 = %scan3A_38) -> (i32)  : i32 {
        %mul3A_220 = arith.constant 16 : i32
        %mul3A_221 = arith.muli %scan3A_218, %mul3A_220 : i32
        %add3A_222 = arith.constant 384 : i32
        %add3A_223 = arith.addi %add3A_222, %mul3A_221 : i32
        %get3A = arith.index_cast %add3A_223 : i32 to index
        %get3A_224 = tpu.vector_load %arg7[%get3A] {strides = array<i32>} : memref<512xi32, #tpu.memory_space<vmem>>, vector<16xi32>,
        %max3A = arith.constant 0 : i32
        %max3A_225 = vector.broadcast %max3A : i32 to vector<16xi32>
        %max3A_226 = arith.maxsi %get3A_224, %max3A_225 : vector<16xi32>
        %get3A_227 = arith.index_cast %add3A_223 : i32 to index
        %get3A_228 = tpu.vector_load %arg8[%get3A_227] {strides = array<i32>} : memref<512xi32, #tpu.memory_space<vmem>>, vector<16xi32>,
        %max3A_229 = arith.constant 0 : i32
        %max3A_230 = vector.broadcast %max3A_229 : i32 to vector<16xi32>
        %max3A_231 = arith.maxsi %get3A_228, %max3A_230 : vector<16xi32>
        %swap3A = arith.index_cast %add3A_223 : i32 to index
        %swap3A_232 = tpu.vector_load %arg7[%swap3A] {strides = array<i32>} : memref<512xi32, #tpu.memory_space<vmem>>, vector<16xi32>,
        tpu.vector_store %arg7[%swap3A], %max3A_226 {strides = array<i32>} : memref<512xi32, #tpu.memory_space<vmem>>, vector<16xi32>,
        %swap3A_233 = arith.index_cast %add3A_223 : i32 to index
        %swap3A_234 = tpu.vector_load %arg8[%swap3A_233] {strides = array<i32>} : memref<512xi32, #tpu.memory_space<vmem>>, vector<16xi32>,
        tpu.vector_store %arg8[%swap3A_233], %max3A_231 {strides = array<i32>} : memref<512xi32, #tpu.memory_space<vmem>>, vector<16xi32>,
        %mul3A_235 = arith.constant 16 : i32
        %mul3A_236 = arith.muli %scan3A_218, %mul3A_235 : i32
        %swap3A_237 = arith.constant 3 : i32
        %swap3A_238 = arith.index_cast %swap3A_237 : i32 to index
        %swap3A_239 = arith.index_cast %mul3A_236 : i32 to index
        %swap3A_240 = tpu.vector_load %arg9[%swap3A_238, %swap3A_239] {strides = array<i32>} : memref<4x128xi32, #tpu.memory_space<vmem>>, vector<16xi32>,
        tpu.vector_store %arg9[%swap3A_238, %swap3A_239], %max3A_226 {strides = array<i32>} : memref<4x128xi32, #tpu.memory_space<vmem>>, vector<16xi32>,
        %mul3A_241 = arith.constant 16 : i32
        %mul3A_242 = arith.muli %scan3A_218, %mul3A_241 : i32
        %swap3A_243 = arith.constant 3 : i32
        %swap3A_244 = arith.index_cast %swap3A_243 : i32 to index
        %swap3A_245 = arith.index_cast %mul3A_242 : i32 to index
        %swap3A_246 = tpu.vector_load %arg10[%swap3A_244, %swap3A_245] {strides = array<i32>} : memref<4x128xi32, #tpu.memory_space<vmem>>, vector<16xi32>,
        tpu.vector_store %arg10[%swap3A_244, %swap3A_245], %max3A_231 {strides = array<i32>} : memref<4x128xi32, #tpu.memory_space<vmem>>, vector<16xi32>,
        %scan3A_247 = arith.constant 0 : i32
        scf.yield %scan3A_247 : i32
      }
      %scan3A_44 = arith.constant 8 : i32
      %dma_start3A = arith.constant 0 : i32
      %dma_start3A_45 = arith.constant 0 : i32
      %dma_start3A_46 = arith.constant 0 : i32
      %dma_start3A_47 = tpu.memref_slice %arg11[%dma_start3A_45, %dma_start3A_46] : memref<512x33xf32, #tpu.memory_space<vmem>> -> memref<128x33xf32, #tpu.memory_space<vmem>>
      %dma_start3A_48 = arith.constant 0 : i32
      %dma_start3A_49 = tpu.memref_slice %arg9[%dma_start3A, %dma_start3A_48] : memref<4x128xi32, #tpu.memory_space<vmem>> -> memref<1x128xi32, #tpu.memory_space<vmem>>
      %dma_start3A_50 = tpu.memref_squeeze %dma_start3A_49 : memref<1x128xi32, #tpu.memory_space<vmem>> -> memref<128xi32, #tpu.memory_space<vmem>>
      %dma_start3A_51 = arith.constant 0 : i32
      %dma_start3A_52 = arith.constant 0 : i32
      %dma_start3A_53 = tpu.memref_slice %arg2[%dma_start3A_51, %dma_start3A_52] : memref<1000000x33xf32, #tpu.memory_space<hbm>> -> memref<1000000x33xf32, #tpu.memory_space<hbm>>
      tpu.enqueue_indirect_dma source(%dma_start3A_53 : memref<1000000x33xf32, #tpu.memory_space<hbm>>) target(%dma_start3A_47 : memref<128x33xf32, #tpu.memory_space<vmem>>) offsets(%dma_start3A_50 : memref<128xi32, #tpu.memory_space<vmem>>) semaphore(%arg14 : memref<!tpu.dma_semaphore, #tpu.memory_space<semaphore_mem>>)
      %dma_start3A_54 = arith.constant 0 : i32
      %dma_start3A_55 = arith.constant 0 : i32
      %dma_start3A_56 = arith.constant 0 : i32
      %dma_start3A_57 = tpu.memref_slice %arg12[%dma_start3A_55, %dma_start3A_56] : memref<512x33xf32, #tpu.memory_space<vmem>> -> memref<128x33xf32, #tpu.memory_space<vmem>>
      %dma_start3A_58 = arith.constant 0 : i32
      %dma_start3A_59 = tpu.memref_slice %arg10[%dma_start3A_54, %dma_start3A_58] : memref<4x128xi32, #tpu.memory_space<vmem>> -> memref<1x128xi32, #tpu.memory_space<vmem>>
      %dma_start3A_60 = tpu.memref_squeeze %dma_start3A_59 : memref<1x128xi32, #tpu.memory_space<vmem>> -> memref<128xi32, #tpu.memory_space<vmem>>
      %dma_start3A_61 = arith.constant 0 : i32
      %dma_start3A_62 = arith.constant 0 : i32
      %dma_start3A_63 = tpu.memref_slice %arg3[%dma_start3A_61, %dma_start3A_62] : memref<125000x33xf32, #tpu.memory_space<hbm>> -> memref<125000x33xf32, #tpu.memory_space<hbm>>
      tpu.enqueue_indirect_dma source(%dma_start3A_63 : memref<125000x33xf32, #tpu.memory_space<hbm>>) target(%dma_start3A_57 : memref<128x33xf32, #tpu.memory_space<vmem>>) offsets(%dma_start3A_60 : memref<128xi32, #tpu.memory_space<vmem>>) semaphore(%arg15 : memref<!tpu.dma_semaphore, #tpu.memory_space<semaphore_mem>>)
      %dma_start3A_64 = arith.constant 1 : i32
      %dma_start3A_65 = arith.constant 128 : i32
      %dma_start3A_66 = arith.constant 0 : i32
      %dma_start3A_67 = tpu.memref_slice %arg11[%dma_start3A_65, %dma_start3A_66] : memref<512x33xf32, #tpu.memory_space<vmem>> -> memref<128x33xf32, #tpu.memory_space<vmem>>
      %dma_start3A_68 = arith.constant 0 : i32
      %dma_start3A_69 = tpu.memref_slice %arg9[%dma_start3A_64, %dma_start3A_68] : memref<4x128xi32, #tpu.memory_space<vmem>> -> memref<1x128xi32, #tpu.memory_space<vmem>>
      %dma_start3A_70 = tpu.memref_squeeze %dma_start3A_69 : memref<1x128xi32, #tpu.memory_space<vmem>> -> memref<128xi32, #tpu.memory_space<vmem>>
      %dma_start3A_71 = arith.constant 0 : i32
      %dma_start3A_72 = arith.constant 0 : i32
      %dma_start3A_73 = tpu.memref_slice %arg2[%dma_start3A_71, %dma_start3A_72] : memref<1000000x33xf32, #tpu.memory_space<hbm>> -> memref<1000000x33xf32, #tpu.memory_space<hbm>>
      tpu.enqueue_indirect_dma source(%dma_start3A_73 : memref<1000000x33xf32, #tpu.memory_space<hbm>>) target(%dma_start3A_67 : memref<128x33xf32, #tpu.memory_space<vmem>>) offsets(%dma_start3A_70 : memref<128xi32, #tpu.memory_space<vmem>>) semaphore(%arg14 : memref<!tpu.dma_semaphore, #tpu.memory_space<semaphore_mem>>)
      %dma_start3A_74 = arith.constant 1 : i32
      %dma_start3A_75 = arith.constant 128 : i32
      %dma_start3A_76 = arith.constant 0 : i32
      %dma_start3A_77 = tpu.memref_slice %arg12[%dma_start3A_75, %dma_start3A_76] : memref<512x33xf32, #tpu.memory_space<vmem>> -> memref<128x33xf32, #tpu.memory_space<vmem>>
      %dma_start3A_78 = arith.constant 0 : i32
      %dma_start3A_79 = tpu.memref_slice %arg10[%dma_start3A_74, %dma_start3A_78] : memref<4x128xi32, #tpu.memory_space<vmem>> -> memref<1x128xi32, #tpu.memory_space<vmem>>
      %dma_start3A_80 = tpu.memref_squeeze %dma_start3A_79 : memref<1x128xi32, #tpu.memory_space<vmem>> -> memref<128xi32, #tpu.memory_space<vmem>>
      %dma_start3A_81 = arith.constant 0 : i32
      %dma_start3A_82 = arith.constant 0 : i32
      %dma_start3A_83 = tpu.memref_slice %arg3[%dma_start3A_81, %dma_start3A_82] : memref<125000x33xf32, #tpu.memory_space<hbm>> -> memref<125000x33xf32, #tpu.memory_space<hbm>>
      tpu.enqueue_indirect_dma source(%dma_start3A_83 : memref<125000x33xf32, #tpu.memory_space<hbm>>) target(%dma_start3A_77 : memref<128x33xf32, #tpu.memory_space<vmem>>) offsets(%dma_start3A_80 : memref<128xi32, #tpu.memory_space<vmem>>) semaphore(%arg15 : memref<!tpu.dma_semaphore, #tpu.memory_space<semaphore_mem>>)
      %dma_start3A_84 = arith.constant 2 : i32
      %dma_start3A_85 = arith.constant 256 : i32
      %dma_start3A_86 = arith.constant 0 : i32
      %dma_start3A_87 = tpu.memref_slice %arg11[%dma_start3A_85, %dma_start3A_86] : memref<512x33xf32, #tpu.memory_space<vmem>> -> memref<128x33xf32, #tpu.memory_space<vmem>>
      %dma_start3A_88 = arith.constant 0 : i32
      %dma_start3A_89 = tpu.memref_slice %arg9[%dma_start3A_84, %dma_start3A_88] : memref<4x128xi32, #tpu.memory_space<vmem>> -> memref<1x128xi32, #tpu.memory_space<vmem>>
      %dma_start3A_90 = tpu.memref_squeeze %dma_start3A_89 : memref<1x128xi32, #tpu.memory_space<vmem>> -> memref<128xi32, #tpu.memory_space<vmem>>
      %dma_start3A_91 = arith.constant 0 : i32
      %dma_start3A_92 = arith.constant 0 : i32
      %dma_start3A_93 = tpu.memref_slice %arg2[%dma_start3A_91, %dma_start3A_92] : memref<1000000x33xf32, #tpu.memory_space<hbm>> -> memref<1000000x33xf32, #tpu.memory_space<hbm>>
      tpu.enqueue_indirect_dma source(%dma_start3A_93 : memref<1000000x33xf32, #tpu.memory_space<hbm>>) target(%dma_start3A_87 : memref<128x33xf32, #tpu.memory_space<vmem>>) offsets(%dma_start3A_90 : memref<128xi32, #tpu.memory_space<vmem>>) semaphore(%arg14 : memref<!tpu.dma_semaphore, #tpu.memory_space<semaphore_mem>>)
      %dma_start3A_94 = arith.constant 2 : i32
      %dma_start3A_95 = arith.constant 256 : i32
      %dma_start3A_96 = arith.constant 0 : i32
      %dma_start3A_97 = tpu.memref_slice %arg12[%dma_start3A_95, %dma_start3A_96] : memref<512x33xf32, #tpu.memory_space<vmem>> -> memref<128x33xf32, #tpu.memory_space<vmem>>
      %dma_start3A_98 = arith.constant 0 : i32
      %dma_start3A_99 = tpu.memref_slice %arg10[%dma_start3A_94, %dma_start3A_98] : memref<4x128xi32, #tpu.memory_space<vmem>> -> memref<1x128xi32, #tpu.memory_space<vmem>>
      %dma_start3A_100 = tpu.memref_squeeze %dma_start3A_99 : memref<1x128xi32, #tpu.memory_space<vmem>> -> memref<128xi32, #tpu.memory_space<vmem>>
      %dma_start3A_101 = arith.constant 0 : i32
      %dma_start3A_102 = arith.constant 0 : i32
      %dma_start3A_103 = tpu.memref_slice %arg3[%dma_start3A_101, %dma_start3A_102] : memref<125000x33xf32, #tpu.memory_space<hbm>> -> memref<125000x33xf32, #tpu.memory_space<hbm>>
      tpu.enqueue_indirect_dma source(%dma_start3A_103 : memref<125000x33xf32, #tpu.memory_space<hbm>>) target(%dma_start3A_97 : memref<128x33xf32, #tpu.memory_space<vmem>>) offsets(%dma_start3A_100 : memref<128xi32, #tpu.memory_space<vmem>>) semaphore(%arg15 : memref<!tpu.dma_semaphore, #tpu.memory_space<semaphore_mem>>)
      %dma_start3A_104 = arith.constant 3 : i32
      %dma_start3A_105 = arith.constant 384 : i32
      %dma_start3A_106 = arith.constant 0 : i32
      %dma_start3A_107 = tpu.memref_slice %arg11[%dma_start3A_105, %dma_start3A_106] : memref<512x33xf32, #tpu.memory_space<vmem>> -> memref<128x33xf32, #tpu.memory_space<vmem>>
      %dma_start3A_108 = arith.constant 0 : i32
      %dma_start3A_109 = tpu.memref_slice %arg9[%dma_start3A_104, %dma_start3A_108] : memref<4x128xi32, #tpu.memory_space<vmem>> -> memref<1x128xi32, #tpu.memory_space<vmem>>
      %dma_start3A_110 = tpu.memref_squeeze %dma_start3A_109 : memref<1x128xi32, #tpu.memory_space<vmem>> -> memref<128xi32, #tpu.memory_space<vmem>>
      %dma_start3A_111 = arith.constant 0 : i32
      %dma_start3A_112 = arith.constant 0 : i32
      %dma_start3A_113 = tpu.memref_slice %arg2[%dma_start3A_111, %dma_start3A_112] : memref<1000000x33xf32, #tpu.memory_space<hbm>> -> memref<1000000x33xf32, #tpu.memory_space<hbm>>
      tpu.enqueue_indirect_dma source(%dma_start3A_113 : memref<1000000x33xf32, #tpu.memory_space<hbm>>) target(%dma_start3A_107 : memref<128x33xf32, #tpu.memory_space<vmem>>) offsets(%dma_start3A_110 : memref<128xi32, #tpu.memory_space<vmem>>) semaphore(%arg14 : memref<!tpu.dma_semaphore, #tpu.memory_space<semaphore_mem>>)
      %dma_start3A_114 = arith.constant 3 : i32
      %dma_start3A_115 = arith.constant 384 : i32
      %dma_start3A_116 = arith.constant 0 : i32
      %dma_start3A_117 = tpu.memref_slice %arg12[%dma_start3A_115, %dma_start3A_116] : memref<512x33xf32, #tpu.memory_space<vmem>> -> memref<128x33xf32, #tpu.memory_space<vmem>>
      %dma_start3A_118 = arith.constant 0 : i32
      %dma_start3A_119 = tpu.memref_slice %arg10[%dma_start3A_114, %dma_start3A_118] : memref<4x128xi32, #tpu.memory_space<vmem>> -> memref<1x128xi32, #tpu.memory_space<vmem>>
      %dma_start3A_120 = tpu.memref_squeeze %dma_start3A_119 : memref<1x128xi32, #tpu.memory_space<vmem>> -> memref<128xi32, #tpu.memory_space<vmem>>
      %dma_start3A_121 = arith.constant 0 : i32
      %dma_start3A_122 = arith.constant 0 : i32
      %dma_start3A_123 = tpu.memref_slice %arg3[%dma_start3A_121, %dma_start3A_122] : memref<125000x33xf32, #tpu.memory_space<hbm>> -> memref<125000x33xf32, #tpu.memory_space<hbm>>
      tpu.enqueue_indirect_dma source(%dma_start3A_123 : memref<125000x33xf32, #tpu.memory_space<hbm>>) target(%dma_start3A_117 : memref<128x33xf32, #tpu.memory_space<vmem>>) offsets(%dma_start3A_120 : memref<128xi32, #tpu.memory_space<vmem>>) semaphore(%arg15 : memref<!tpu.dma_semaphore, #tpu.memory_space<semaphore_mem>>)
      %dma_wait3A = arith.constant 0 : i32
      %dma_wait3A_124 = arith.constant 0 : i32
      %dma_wait3A_125 = arith.constant 0 : i32
      %dma_wait3A_126 = tpu.memref_slice %arg11[%dma_wait3A_124, %dma_wait3A_125] : memref<512x33xf32, #tpu.memory_space<vmem>> -> memref<128x33xf32, #tpu.memory_space<vmem>>
      %dma_wait3A_127 = arith.constant 0 : i32
      %dma_wait3A_128 = tpu.memref_slice %arg9[%dma_wait3A, %dma_wait3A_127] : memref<4x128xi32, #tpu.memory_space<vmem>> -> memref<1x128xi32, #tpu.memory_space<vmem>>
      %dma_wait3A_129 = tpu.memref_squeeze %dma_wait3A_128 : memref<1x128xi32, #tpu.memory_space<vmem>> -> memref<128xi32, #tpu.memory_space<vmem>>
      %dma_wait3A_130 = arith.constant 0 : i32
      %dma_wait3A_131 = arith.constant 0 : i32
      %dma_wait3A_132 = tpu.memref_slice %arg2[%dma_wait3A_130, %dma_wait3A_131] : memref<1000000x33xf32, #tpu.memory_space<hbm>> -> memref<1000000x33xf32, #tpu.memory_space<hbm>>
      tpu.wait_indirect_dma semaphore(%arg14 : memref<!tpu.dma_semaphore, #tpu.memory_space<semaphore_mem>>) src(%dma_wait3A_132 : memref<1000000x33xf32, #tpu.memory_space<hbm>>) dst(%dma_wait3A_126 : memref<128x33xf32, #tpu.memory_space<vmem>>)
      %dma_wait3A_133 = arith.constant 0 : i32
      %dma_wait3A_134 = arith.constant 0 : i32
      %dma_wait3A_135 = arith.constant 0 : i32
      %dma_wait3A_136 = tpu.memref_slice %arg12[%dma_wait3A_134, %dma_wait3A_135] : memref<512x33xf32, #tpu.memory_space<vmem>> -> memref<128x33xf32, #tpu.memory_space<vmem>>
      %dma_wait3A_137 = arith.constant 0 : i32
      %dma_wait3A_138 = tpu.memref_slice %arg10[%dma_wait3A_133, %dma_wait3A_137] : memref<4x128xi32, #tpu.memory_space<vmem>> -> memref<1x128xi32, #tpu.memory_space<vmem>>
      %dma_wait3A_139 = tpu.memref_squeeze %dma_wait3A_138 : memref<1x128xi32, #tpu.memory_space<vmem>> -> memref<128xi32, #tpu.memory_space<vmem>>
      %dma_wait3A_140 = arith.constant 0 : i32
      %dma_wait3A_141 = arith.constant 0 : i32
      %dma_wait3A_142 = tpu.memref_slice %arg3[%dma_wait3A_140, %dma_wait3A_141] : memref<125000x33xf32, #tpu.memory_space<hbm>> -> memref<125000x33xf32, #tpu.memory_space<hbm>>
      tpu.wait_indirect_dma semaphore(%arg15 : memref<!tpu.dma_semaphore, #tpu.memory_space<semaphore_mem>>) src(%dma_wait3A_142 : memref<125000x33xf32, #tpu.memory_space<hbm>>) dst(%dma_wait3A_136 : memref<128x33xf32, #tpu.memory_space<vmem>>)
      %dma_wait3A_143 = arith.constant 1 : i32
      %dma_wait3A_144 = arith.constant 128 : i32
      %dma_wait3A_145 = arith.constant 0 : i32
      %dma_wait3A_146 = tpu.memref_slice %arg11[%dma_wait3A_144, %dma_wait3A_145] : memref<512x33xf32, #tpu.memory_space<vmem>> -> memref<128x33xf32, #tpu.memory_space<vmem>>
      %dma_wait3A_147 = arith.constant 0 : i32
      %dma_wait3A_148 = tpu.memref_slice %arg9[%dma_wait3A_143, %dma_wait3A_147] : memref<4x128xi32, #tpu.memory_space<vmem>> -> memref<1x128xi32, #tpu.memory_space<vmem>>
      %dma_wait3A_149 = tpu.memref_squeeze %dma_wait3A_148 : memref<1x128xi32, #tpu.memory_space<vmem>> -> memref<128xi32, #tpu.memory_space<vmem>>
      %dma_wait3A_150 = arith.constant 0 : i32
      %dma_wait3A_151 = arith.constant 0 : i32
      %dma_wait3A_152 = tpu.memref_slice %arg2[%dma_wait3A_150, %dma_wait3A_151] : memref<1000000x33xf32, #tpu.memory_space<hbm>> -> memref<1000000x33xf32, #tpu.memory_space<hbm>>
      tpu.wait_indirect_dma semaphore(%arg14 : memref<!tpu.dma_semaphore, #tpu.memory_space<semaphore_mem>>) src(%dma_wait3A_152 : memref<1000000x33xf32, #tpu.memory_space<hbm>>) dst(%dma_wait3A_146 : memref<128x33xf32, #tpu.memory_space<vmem>>)
      %dma_wait3A_153 = arith.constant 1 : i32
      %dma_wait3A_154 = arith.constant 128 : i32
      %dma_wait3A_155 = arith.constant 0 : i32
      %dma_wait3A_156 = tpu.memref_slice %arg12[%dma_wait3A_154, %dma_wait3A_155] : memref<512x33xf32, #tpu.memory_space<vmem>> -> memref<128x33xf32, #tpu.memory_space<vmem>>
      %dma_wait3A_157 = arith.constant 0 : i32
      %dma_wait3A_158 = tpu.memref_slice %arg10[%dma_wait3A_153, %dma_wait3A_157] : memref<4x128xi32, #tpu.memory_space<vmem>> -> memref<1x128xi32, #tpu.memory_space<vmem>>
      %dma_wait3A_159 = tpu.memref_squeeze %dma_wait3A_158 : memref<1x128xi32, #tpu.memory_space<vmem>> -> memref<128xi32, #tpu.memory_space<vmem>>
      %dma_wait3A_160 = arith.constant 0 : i32
      %dma_wait3A_161 = arith.constant 0 : i32
      %dma_wait3A_162 = tpu.memref_slice %arg3[%dma_wait3A_160, %dma_wait3A_161] : memref<125000x33xf32, #tpu.memory_space<hbm>> -> memref<125000x33xf32, #tpu.memory_space<hbm>>
      tpu.wait_indirect_dma semaphore(%arg15 : memref<!tpu.dma_semaphore, #tpu.memory_space<semaphore_mem>>) src(%dma_wait3A_162 : memref<125000x33xf32, #tpu.memory_space<hbm>>) dst(%dma_wait3A_156 : memref<128x33xf32, #tpu.memory_space<vmem>>)
      %dma_wait3A_163 = arith.constant 2 : i32
      %dma_wait3A_164 = arith.constant 256 : i32
      %dma_wait3A_165 = arith.constant 0 : i32
      %dma_wait3A_166 = tpu.memref_slice %arg11[%dma_wait3A_164, %dma_wait3A_165] : memref<512x33xf32, #tpu.memory_space<vmem>> -> memref<128x33xf32, #tpu.memory_space<vmem>>
      %dma_wait3A_167 = arith.constant 0 : i32
      %dma_wait3A_168 = tpu.memref_slice %arg9[%dma_wait3A_163, %dma_wait3A_167] : memref<4x128xi32, #tpu.memory_space<vmem>> -> memref<1x128xi32, #tpu.memory_space<vmem>>
      %dma_wait3A_169 = tpu.memref_squeeze %dma_wait3A_168 : memref<1x128xi32, #tpu.memory_space<vmem>> -> memref<128xi32, #tpu.memory_space<vmem>>
      %dma_wait3A_170 = arith.constant 0 : i32
      %dma_wait3A_171 = arith.constant 0 : i32
      %dma_wait3A_172 = tpu.memref_slice %arg2[%dma_wait3A_170, %dma_wait3A_171] : memref<1000000x33xf32, #tpu.memory_space<hbm>> -> memref<1000000x33xf32, #tpu.memory_space<hbm>>
      tpu.wait_indirect_dma semaphore(%arg14 : memref<!tpu.dma_semaphore, #tpu.memory_space<semaphore_mem>>) src(%dma_wait3A_172 : memref<1000000x33xf32, #tpu.memory_space<hbm>>) dst(%dma_wait3A_166 : memref<128x33xf32, #tpu.memory_space<vmem>>)
      %dma_wait3A_173 = arith.constant 2 : i32
      %dma_wait3A_174 = arith.constant 256 : i32
      %dma_wait3A_175 = arith.constant 0 : i32
      %dma_wait3A_176 = tpu.memref_slice %arg12[%dma_wait3A_174, %dma_wait3A_175] : memref<512x33xf32, #tpu.memory_space<vmem>> -> memref<128x33xf32, #tpu.memory_space<vmem>>
      %dma_wait3A_177 = arith.constant 0 : i32
      %dma_wait3A_178 = tpu.memref_slice %arg10[%dma_wait3A_173, %dma_wait3A_177] : memref<4x128xi32, #tpu.memory_space<vmem>> -> memref<1x128xi32, #tpu.memory_space<vmem>>
      %dma_wait3A_179 = tpu.memref_squeeze %dma_wait3A_178 : memref<1x128xi32, #tpu.memory_space<vmem>> -> memref<128xi32, #tpu.memory_space<vmem>>
      %dma_wait3A_180 = arith.constant 0 : i32
      %dma_wait3A_181 = arith.constant 0 : i32
      %dma_wait3A_182 = tpu.memref_slice %arg3[%dma_wait3A_180, %dma_wait3A_181] : memref<125000x33xf32, #tpu.memory_space<hbm>> -> memref<125000x33xf32, #tpu.memory_space<hbm>>
      tpu.wait_indirect_dma semaphore(%arg15 : memref<!tpu.dma_semaphore, #tpu.memory_space<semaphore_mem>>) src(%dma_wait3A_182 : memref<125000x33xf32, #tpu.memory_space<hbm>>) dst(%dma_wait3A_176 : memref<128x33xf32, #tpu.memory_space<vmem>>)
      %dma_wait3A_183 = arith.constant 3 : i32
      %dma_wait3A_184 = arith.constant 384 : i32
      %dma_wait3A_185 = arith.constant 0 : i32
      %dma_wait3A_186 = tpu.memref_slice %arg11[%dma_wait3A_184, %dma_wait3A_185] : memref<512x33xf32, #tpu.memory_space<vmem>> -> memref<128x33xf32, #tpu.memory_space<vmem>>
      %dma_wait3A_187 = arith.constant 0 : i32
      %dma_wait3A_188 = tpu.memref_slice %arg9[%dma_wait3A_183, %dma_wait3A_187] : memref<4x128xi32, #tpu.memory_space<vmem>> -> memref<1x128xi32, #tpu.memory_space<vmem>>
      %dma_wait3A_189 = tpu.memref_squeeze %dma_wait3A_188 : memref<1x128xi32, #tpu.memory_space<vmem>> -> memref<128xi32, #tpu.memory_space<vmem>>
      %dma_wait3A_190 = arith.constant 0 : i32
      %dma_wait3A_191 = arith.constant 0 : i32
      %dma_wait3A_192 = tpu.memref_slice %arg2[%dma_wait3A_190, %dma_wait3A_191] : memref<1000000x33xf32, #tpu.memory_space<hbm>> -> memref<1000000x33xf32, #tpu.memory_space<hbm>>
      tpu.wait_indirect_dma semaphore(%arg14 : memref<!tpu.dma_semaphore, #tpu.memory_space<semaphore_mem>>) src(%dma_wait3A_192 : memref<1000000x33xf32, #tpu.memory_space<hbm>>) dst(%dma_wait3A_186 : memref<128x33xf32, #tpu.memory_space<vmem>>)
      %dma_wait3A_193 = arith.constant 3 : i32
      %dma_wait3A_194 = arith.constant 384 : i32
      %dma_wait3A_195 = arith.constant 0 : i32
      %dma_wait3A_196 = tpu.memref_slice %arg12[%dma_wait3A_194, %dma_wait3A_195] : memref<512x33xf32, #tpu.memory_space<vmem>> -> memref<128x33xf32, #tpu.memory_space<vmem>>
      %dma_wait3A_197 = arith.constant 0 : i32
      %dma_wait3A_198 = tpu.memref_slice %arg10[%dma_wait3A_193, %dma_wait3A_197] : memref<4x128xi32, #tpu.memory_space<vmem>> -> memref<1x128xi32, #tpu.memory_space<vmem>>
      %dma_wait3A_199 = tpu.memref_squeeze %dma_wait3A_198 : memref<1x128xi32, #tpu.memory_space<vmem>> -> memref<128xi32, #tpu.memory_space<vmem>>
      %dma_wait3A_200 = arith.constant 0 : i32
      %dma_wait3A_201 = arith.constant 0 : i32
      %dma_wait3A_202 = tpu.memref_slice %arg3[%dma_wait3A_200, %dma_wait3A_201] : memref<125000x33xf32, #tpu.memory_space<hbm>> -> memref<125000x33xf32, #tpu.memory_space<hbm>>
      tpu.wait_indirect_dma semaphore(%arg15 : memref<!tpu.dma_semaphore, #tpu.memory_space<semaphore_mem>>) src(%dma_wait3A_202 : memref<125000x33xf32, #tpu.memory_space<hbm>>) dst(%dma_wait3A_196 : memref<128x33xf32, #tpu.memory_space<vmem>>)
      %scan3A_203 = arith.constant 0 : i32
      %scan3A_204 = arith.constant 0 : i32
      %scan3A_205 = arith.constant 32 : i32
      %scan3A_206 = arith.addi %scan3A_204, %scan3A_205 : i32
      %scan3A_207 = arith.constant 1 : i32
      %scan3A_208 = scf.for %scan3A_218 = %scan3A_204 to %scan3A_206 step %scan3A_207 iter_args(%scan3A_219 = %scan3A_203) -> (i32)  : i32 {
        %mul3A_220 = arith.constant 16 : i32
        %mul3A_221 = arith.muli %scan3A_218, %mul3A_220 : i32
        %add3A_222 = vector.broadcast %mul3A_221 : i32 to vector<16xi32>
        %add3A_223 = arith.addi %add3A_222, %iota3A : vector<16xi32>
        %mul3A_224 = arith.constant 16 : i32
        %mul3A_225 = arith.muli %scan3A_218, %mul3A_224 : i32
        %get3A = arith.index_cast %mul3A_225 : i32 to index
        %get3A_226 = tpu.vector_load %arg7[%get3A] {strides = array<i32>} : memref<512xi32, #tpu.memory_space<vmem>>, vector<16xi32>,
        %get3A_227 = arith.index_cast %mul3A_225 : i32 to index
        %get3A_228 = tpu.vector_load %arg8[%get3A_227] {strides = array<i32>} : memref<512xi32, #tpu.memory_space<vmem>>, vector<16xi32>,
        %gather3A = tpu.vector_load_idx %arg11[%add3A_223, %broadcast_in_dim3A_3] : memref<512x33xf32, #tpu.memory_space<vmem>>[vector<16xi32>, vector<16xi32>], vector<16xf32>,
        %gather3A_229 = tpu.vector_load_idx %arg12[%add3A_223, %broadcast_in_dim3A_3] : memref<512x33xf32, #tpu.memory_space<vmem>>[vector<16xi32>, vector<16xi32>], vector<16xf32>,
        %gt3A = arith.constant 0 : i32
        %gt3A_230 = vector.broadcast %gt3A : i32 to vector<16xi32>
        %gt3A_231 = arith.cmpi sgt, %get3A_226, %gt3A_230 : vector<16xi32>
        %gt3A_232 = arith.constant 0 : i32
        %gt3A_233 = vector.broadcast %gt3A_232 : i32 to vector<16xi32>
        %gt3A_234 = arith.cmpi sgt, %get3A_228, %gt3A_233 : vector<16xi32>
        %broadcast_in_dim3A_235 = arith.constant 0.000000e+00 : f32
        %broadcast_in_dim3A_236 = vector.broadcast %broadcast_in_dim3A_235 : f32 to vector<16xf32>
        %select_n3A = arith.select %gt3A_231, %gather3A, %broadcast_in_dim3A_236 : vector<16xi1>, vector<16xf32>
        %select_n3A_237 = arith.select %gt3A_234, %gather3A_229, %broadcast_in_dim3A_236 : vector<16xi1>, vector<16xf32>
        %ge3A = arith.constant 0 : i32
        %ge3A_238 = vector.broadcast %ge3A : i32 to vector<16xi32>
        %ge3A_239 = arith.cmpi sge, %get3A_226, %ge3A_238 : vector<16xi32>
        %ge3A_240 = arith.constant 0 : i32
        %ge3A_241 = vector.broadcast %ge3A_240 : i32 to vector<16xi32>
        %ge3A_242 = arith.cmpi sge, %get3A_228, %ge3A_241 : vector<16xi32>
        %select_n3A_243 = arith.select %ge3A_239, %select_n3A, %select_n3A_237 : vector<16xi1>, vector<16xf32>
        %or3A = arith.ori %ge3A_239, %ge3A_242 : vector<16xi1>
        %broadcast_in_dim3A_244 = arith.constant -3.000000e+00 : f32
        %broadcast_in_dim3A_245 = vector.broadcast %broadcast_in_dim3A_244 : f32 to vector<16xf32>
        %select_n3A_246 = arith.select %or3A, %select_n3A_243, %broadcast_in_dim3A_245 : vector<16xi1>, vector<16xf32>
        tpu.vector_store_idx %arg13[%add3A_223, %broadcast_in_dim3A_5], %select_n3A_246 : memref<512x65xf32, #tpu.memory_space<vmem>>[vector<16xi32>, vector<16xi32>], vector<16xf32>,
        %reduce_min3A = arith.constant true
        %reduce_min3A_247 = vector.broadcast %reduce_min3A : i1 to vector<16xi1>
        %reduce_min3A_248 = arith.constant -2147483648 : i32
        %reduce_min3A_249 = vector.broadcast %reduce_min3A_248 : i32 to vector<16xi32>
        %reduce_min3A_250 = arith.xori %get3A_226, %reduce_min3A_249 : vector<16xi32>
        %reduce_min3A_251 = tpu.scan <min>, %reduce_min3A_250 masked %reduce_min3A_247 : vector<16xi32>, vector<16xi1> -> vector<16xi32>
        %reduce_min3A_252 = arith.xori %reduce_min3A_251, %reduce_min3A_249 : vector<16xi32>
        %reduce_min3A_253 = vector.extract %reduce_min3A_252[15] : i32 from vector<16xi32>
        %le3A = arith.constant 0 : i32
        %le3A_254 = arith.cmpi sle, %reduce_min3A_253, %le3A : i32
        %convert_element_type3A = arith.extui %le3A_254 : i1 to i32
        %cond3A = arith.constant 0 : i32
        %cond3A_255 = arith.cmpi ne, %convert_element_type3A, %cond3A : i32
        scf.if %cond3A_255 {
          %not3A = arith.constant dense<true> : vector<16xi1>
          %not3A_270 = arith.xori %gt3A_231, %not3A : vector<16xi1>
          %broadcast_in_dim3A_271 = arith.constant 0 : i32
          %broadcast_in_dim3A_272 = vector.broadcast %broadcast_in_dim3A_271 : i32 to vector<16xi32>
          tpu.vector_store_idx %arg11[%add3A_223, %broadcast_in_dim3A_272], %broadcast_in_dim3A_236 masked %not3A_270 : memref<512x33xf32, #tpu.memory_space<vmem>>[vector<16xi32>, vector<16xi32>], vector<16xf32>, vector<16xi1>
          %broadcast_in_dim3A_273 = arith.constant 1 : i32
          %broadcast_in_dim3A_274 = vector.broadcast %broadcast_in_dim3A_273 : i32 to vector<16xi32>
          tpu.vector_store_idx %arg11[%add3A_223, %broadcast_in_dim3A_274], %broadcast_in_dim3A_236 masked %not3A_270 : memref<512x33xf32, #tpu.memory_space<vmem>>[vector<16xi32>, vector<16xi32>], vector<16xf32>, vector<16xi1>
          %broadcast_in_dim3A_275 = arith.constant 2 : i32
          %broadcast_in_dim3A_276 = vector.broadcast %broadcast_in_dim3A_275 : i32 to vector<16xi32>
          tpu.vector_store_idx %arg11[%add3A_223, %broadcast_in_dim3A_276], %broadcast_in_dim3A_236 masked %not3A_270 : memref<512x33xf32, #tpu.memory_space<vmem>>[vector<16xi32>, vector<16xi32>], vector<16xf32>, vector<16xi1>
          %broadcast_in_dim3A_277 = arith.constant 3 : i32
          %broadcast_in_dim3A_278 = vector.broadcast %broadcast_in_dim3A_277 : i32 to vector<16xi32>
          tpu.vector_store_idx %arg11[%add3A_223, %broadcast_in_dim3A_278], %broadcast_in_dim3A_236 masked %not3A_270 : memref<512x33xf32, #tpu.memory_space<vmem>>[vector<16xi32>, vector<16xi32>], vector<16xf32>, vector<16xi1>
          %broadcast_in_dim3A_279 = arith.constant 4 : i32
          %broadcast_in_dim3A_280 = vector.broadcast %broadcast_in_dim3A_279 : i32 to vector<16xi32>
          tpu.vector_store_idx %arg11[%add3A_223, %broadcast_in_dim3A_280], %broadcast_in_dim3A_236 masked %not3A_270 : memref<512x33xf32, #tpu.memory_space<vmem>>[vector<16xi32>, vector<16xi32>], vector<16xf32>, vector<16xi1>
          %broadcast_in_dim3A_281 = arith.constant 5 : i32
          %broadcast_in_dim3A_282 = vector.broadcast %broadcast_in_dim3A_281 : i32 to vector<16xi32>
          tpu.vector_store_idx %arg11[%add3A_223, %broadcast_in_dim3A_282], %broadcast_in_dim3A_236 masked %not3A_270 : memref<512x33xf32, #tpu.memory_space<vmem>>[vector<16xi32>, vector<16xi32>], vector<16xf32>, vector<16xi1>
          %broadcast_in_dim3A_283 = arith.constant 6 : i32
          %broadcast_in_dim3A_284 = vector.broadcast %broadcast_in_dim3A_283 : i32 to vector<16xi32>
          tpu.vector_store_idx %arg11[%add3A_223, %broadcast_in_dim3A_284], %broadcast_in_dim3A_236 masked %not3A_270 : memref<512x33xf32, #tpu.memory_space<vmem>>[vector<16xi32>, vector<16xi32>], vector<16xf32>, vector<16xi1>
          %broadcast_in_dim3A_285 = arith.constant 7 : i32
          %broadcast_in_dim3A_286 = vector.broadcast %broadcast_in_dim3A_285 : i32 to vector<16xi32>
          tpu.vector_store_idx %arg11[%add3A_223, %broadcast_in_dim3A_286], %broadcast_in_dim3A_236 masked %not3A_270 : memref<512x33xf32, #tpu.memory_space<vmem>>[vector<16xi32>, vector<16xi32>], vector<16xf32>, vector<16xi1>
          %broadcast_in_dim3A_287 = arith.constant 8 : i32
          %broadcast_in_dim3A_288 = vector.broadcast %broadcast_in_dim3A_287 : i32 to vector<16xi32>
          tpu.vector_store_idx %arg11[%add3A_223, %broadcast_in_dim3A_288], %broadcast_in_dim3A_236 masked %not3A_270 : memref<512x33xf32, #tpu.memory_space<vmem>>[vector<16xi32>, vector<16xi32>], vector<16xf32>, vector<16xi1>
          %broadcast_in_dim3A_289 = arith.constant 9 : i32
          %broadcast_in_dim3A_290 = vector.broadcast %broadcast_in_dim3A_289 : i32 to vector<16xi32>
          tpu.vector_store_idx %arg11[%add3A_223, %broadcast_in_dim3A_290], %broadcast_in_dim3A_236 masked %not3A_270 : memref<512x33xf32, #tpu.memory_space<vmem>>[vector<16xi32>, vector<16xi32>], vector<16xf32>, vector<16xi1>
          %broadcast_in_dim3A_291 = arith.constant 10 : i32
          %broadcast_in_dim3A_292 = vector.broadcast %broadcast_in_dim3A_291 : i32 to vector<16xi32>
          tpu.vector_store_idx %arg11[%add3A_223, %broadcast_in_dim3A_292], %broadcast_in_dim3A_236 masked %not3A_270 : memref<512x33xf32, #tpu.memory_space<vmem>>[vector<16xi32>, vector<16xi32>], vector<16xf32>, vector<16xi1>
          %broadcast_in_dim3A_293 = arith.constant 11 : i32
          %broadcast_in_dim3A_294 = vector.broadcast %broadcast_in_dim3A_293 : i32 to vector<16xi32>
          tpu.vector_store_idx %arg11[%add3A_223, %broadcast_in_dim3A_294], %broadcast_in_dim3A_236 masked %not3A_270 : memref<512x33xf32, #tpu.memory_space<vmem>>[vector<16xi32>, vector<16xi32>], vector<16xf32>, vector<16xi1>
          %broadcast_in_dim3A_295 = arith.constant 12 : i32
          %broadcast_in_dim3A_296 = vector.broadcast %broadcast_in_dim3A_295 : i32 to vector<16xi32>
          tpu.vector_store_idx %arg11[%add3A_223, %broadcast_in_dim3A_296], %broadcast_in_dim3A_236 masked %not3A_270 : memref<512x33xf32, #tpu.memory_space<vmem>>[vector<16xi32>, vector<16xi32>], vector<16xf32>, vector<16xi1>
          %broadcast_in_dim3A_297 = arith.constant 13 : i32
          %broadcast_in_dim3A_298 = vector.broadcast %broadcast_in_dim3A_297 : i32 to vector<16xi32>
          tpu.vector_store_idx %arg11[%add3A_223, %broadcast_in_dim3A_298], %broadcast_in_dim3A_236 masked %not3A_270 : memref<512x33xf32, #tpu.memory_space<vmem>>[vector<16xi32>, vector<16xi32>], vector<16xf32>, vector<16xi1>
          %broadcast_in_dim3A_299 = arith.constant 14 : i32
          %broadcast_in_dim3A_300 = vector.broadcast %broadcast_in_dim3A_299 : i32 to vector<16xi32>
          tpu.vector_store_idx %arg11[%add3A_223, %broadcast_in_dim3A_300], %broadcast_in_dim3A_236 masked %not3A_270 : memref<512x33xf32, #tpu.memory_space<vmem>>[vector<16xi32>, vector<16xi32>], vector<16xf32>, vector<16xi1>
          %broadcast_in_dim3A_301 = arith.constant 15 : i32
          %broadcast_in_dim3A_302 = vector.broadcast %broadcast_in_dim3A_301 : i32 to vector<16xi32>
          tpu.vector_store_idx %arg11[%add3A_223, %broadcast_in_dim3A_302], %broadcast_in_dim3A_236 masked %not3A_270 : memref<512x33xf32, #tpu.memory_space<vmem>>[vector<16xi32>, vector<16xi32>], vector<16xf32>, vector<16xi1>
          %broadcast_in_dim3A_303 = arith.constant 16 : i32
          %broadcast_in_dim3A_304 = vector.broadcast %broadcast_in_dim3A_303 : i32 to vector<16xi32>
          tpu.vector_store_idx %arg11[%add3A_223, %broadcast_in_dim3A_304], %broadcast_in_dim3A_236 masked %not3A_270 : memref<512x33xf32, #tpu.memory_space<vmem>>[vector<16xi32>, vector<16xi32>], vector<16xf32>, vector<16xi1>
          %broadcast_in_dim3A_305 = arith.constant 17 : i32
          %broadcast_in_dim3A_306 = vector.broadcast %broadcast_in_dim3A_305 : i32 to vector<16xi32>
          tpu.vector_store_idx %arg11[%add3A_223, %broadcast_in_dim3A_306], %broadcast_in_dim3A_236 masked %not3A_270 : memref<512x33xf32, #tpu.memory_space<vmem>>[vector<16xi32>, vector<16xi32>], vector<16xf32>, vector<16xi1>
          %broadcast_in_dim3A_307 = arith.constant 18 : i32
          %broadcast_in_dim3A_308 = vector.broadcast %broadcast_in_dim3A_307 : i32 to vector<16xi32>
          tpu.vector_store_idx %arg11[%add3A_223, %broadcast_in_dim3A_308], %broadcast_in_dim3A_236 masked %not3A_270 : memref<512x33xf32, #tpu.memory_space<vmem>>[vector<16xi32>, vector<16xi32>], vector<16xf32>, vector<16xi1>
          %broadcast_in_dim3A_309 = arith.constant 19 : i32
          %broadcast_in_dim3A_310 = vector.broadcast %broadcast_in_dim3A_309 : i32 to vector<16xi32>
          tpu.vector_store_idx %arg11[%add3A_223, %broadcast_in_dim3A_310], %broadcast_in_dim3A_236 masked %not3A_270 : memref<512x33xf32, #tpu.memory_space<vmem>>[vector<16xi32>, vector<16xi32>], vector<16xf32>, vector<16xi1>
          %broadcast_in_dim3A_311 = arith.constant 20 : i32
          %broadcast_in_dim3A_312 = vector.broadcast %broadcast_in_dim3A_311 : i32 to vector<16xi32>
          tpu.vector_store_idx %arg11[%add3A_223, %broadcast_in_dim3A_312], %broadcast_in_dim3A_236 masked %not3A_270 : memref<512x33xf32, #tpu.memory_space<vmem>>[vector<16xi32>, vector<16xi32>], vector<16xf32>, vector<16xi1>
          %broadcast_in_dim3A_313 = arith.constant 21 : i32
          %broadcast_in_dim3A_314 = vector.broadcast %broadcast_in_dim3A_313 : i32 to vector<16xi32>
          tpu.vector_store_idx %arg11[%add3A_223, %broadcast_in_dim3A_314], %broadcast_in_dim3A_236 masked %not3A_270 : memref<512x33xf32, #tpu.memory_space<vmem>>[vector<16xi32>, vector<16xi32>], vector<16xf32>, vector<16xi1>
          %broadcast_in_dim3A_315 = arith.constant 22 : i32
          %broadcast_in_dim3A_316 = vector.broadcast %broadcast_in_dim3A_315 : i32 to vector<16xi32>
          tpu.vector_store_idx %arg11[%add3A_223, %broadcast_in_dim3A_316], %broadcast_in_dim3A_236 masked %not3A_270 : memref<512x33xf32, #tpu.memory_space<vmem>>[vector<16xi32>, vector<16xi32>], vector<16xf32>, vector<16xi1>
          %broadcast_in_dim3A_317 = arith.constant 23 : i32
          %broadcast_in_dim3A_318 = vector.broadcast %broadcast_in_dim3A_317 : i32 to vector<16xi32>
          tpu.vector_store_idx %arg11[%add3A_223, %broadcast_in_dim3A_318], %broadcast_in_dim3A_236 masked %not3A_270 : memref<512x33xf32, #tpu.memory_space<vmem>>[vector<16xi32>, vector<16xi32>], vector<16xf32>, vector<16xi1>
          %broadcast_in_dim3A_319 = arith.constant 24 : i32
          %broadcast_in_dim3A_320 = vector.broadcast %broadcast_in_dim3A_319 : i32 to vector<16xi32>
          tpu.vector_store_idx %arg11[%add3A_223, %broadcast_in_dim3A_320], %broadcast_in_dim3A_236 masked %not3A_270 : memref<512x33xf32, #tpu.memory_space<vmem>>[vector<16xi32>, vector<16xi32>], vector<16xf32>, vector<16xi1>
          %broadcast_in_dim3A_321 = arith.constant 25 : i32
          %broadcast_in_dim3A_322 = vector.broadcast %broadcast_in_dim3A_321 : i32 to vector<16xi32>
          tpu.vector_store_idx %arg11[%add3A_223, %broadcast_in_dim3A_322], %broadcast_in_dim3A_236 masked %not3A_270 : memref<512x33xf32, #tpu.memory_space<vmem>>[vector<16xi32>, vector<16xi32>], vector<16xf32>, vector<16xi1>
          %broadcast_in_dim3A_323 = arith.constant 26 : i32
          %broadcast_in_dim3A_324 = vector.broadcast %broadcast_in_dim3A_323 : i32 to vector<16xi32>
          tpu.vector_store_idx %arg11[%add3A_223, %broadcast_in_dim3A_324], %broadcast_in_dim3A_236 masked %not3A_270 : memref<512x33xf32, #tpu.memory_space<vmem>>[vector<16xi32>, vector<16xi32>], vector<16xf32>, vector<16xi1>
          %broadcast_in_dim3A_325 = arith.constant 27 : i32
          %broadcast_in_dim3A_326 = vector.broadcast %broadcast_in_dim3A_325 : i32 to vector<16xi32>
          tpu.vector_store_idx %arg11[%add3A_223, %broadcast_in_dim3A_326], %broadcast_in_dim3A_236 masked %not3A_270 : memref<512x33xf32, #tpu.memory_space<vmem>>[vector<16xi32>, vector<16xi32>], vector<16xf32>, vector<16xi1>
          %broadcast_in_dim3A_327 = arith.constant 28 : i32
          %broadcast_in_dim3A_328 = vector.broadcast %broadcast_in_dim3A_327 : i32 to vector<16xi32>
          tpu.vector_store_idx %arg11[%add3A_223, %broadcast_in_dim3A_328], %broadcast_in_dim3A_236 masked %not3A_270 : memref<512x33xf32, #tpu.memory_space<vmem>>[vector<16xi32>, vector<16xi32>], vector<16xf32>, vector<16xi1>
          %broadcast_in_dim3A_329 = arith.constant 29 : i32
          %broadcast_in_dim3A_330 = vector.broadcast %broadcast_in_dim3A_329 : i32 to vector<16xi32>
          tpu.vector_store_idx %arg11[%add3A_223, %broadcast_in_dim3A_330], %broadcast_in_dim3A_236 masked %not3A_270 : memref<512x33xf32, #tpu.memory_space<vmem>>[vector<16xi32>, vector<16xi32>], vector<16xf32>, vector<16xi1>
          %broadcast_in_dim3A_331 = arith.constant 30 : i32
          %broadcast_in_dim3A_332 = vector.broadcast %broadcast_in_dim3A_331 : i32 to vector<16xi32>
          tpu.vector_store_idx %arg11[%add3A_223, %broadcast_in_dim3A_332], %broadcast_in_dim3A_236 masked %not3A_270 : memref<512x33xf32, #tpu.memory_space<vmem>>[vector<16xi32>, vector<16xi32>], vector<16xf32>, vector<16xi1>
          %broadcast_in_dim3A_333 = arith.constant 31 : i32
          %broadcast_in_dim3A_334 = vector.broadcast %broadcast_in_dim3A_333 : i32 to vector<16xi32>
          tpu.vector_store_idx %arg11[%add3A_223, %broadcast_in_dim3A_334], %broadcast_in_dim3A_236 masked %not3A_270 : memref<512x33xf32, #tpu.memory_space<vmem>>[vector<16xi32>, vector<16xi32>], vector<16xf32>, vector<16xi1>
        } else {
        }
        %reduce_min3A_256 = arith.constant true
        %reduce_min3A_257 = vector.broadcast %reduce_min3A_256 : i1 to vector<16xi1>
        %reduce_min3A_258 = arith.constant -2147483648 : i32
        %reduce_min3A_259 = vector.broadcast %reduce_min3A_258 : i32 to vector<16xi32>
        %reduce_min3A_260 = arith.xori %get3A_228, %reduce_min3A_259 : vector<16xi32>
        %reduce_min3A_261 = tpu.scan <min>, %reduce_min3A_260 masked %reduce_min3A_257 : vector<16xi32>, vector<16xi1> -> vector<16xi32>
        %reduce_min3A_262 = arith.xori %reduce_min3A_261, %reduce_min3A_259 : vector<16xi32>
        %reduce_min3A_263 = vector.extract %reduce_min3A_262[15] : i32 from vector<16xi32>
        %le3A_264 = arith.constant 0 : i32
        %le3A_265 = arith.cmpi sle, %reduce_min3A_263, %le3A_264 : i32
        %convert_element_type3A_266 = arith.extui %le3A_265 : i1 to i32
        %cond3A_267 = arith.constant 0 : i32
        %cond3A_268 = arith.cmpi ne, %convert_element_type3A_266, %cond3A_267 : i32
        scf.if %cond3A_268 {
          %not3A = arith.constant dense<true> : vector<16xi1>
          %not3A_270 = arith.xori %gt3A_234, %not3A : vector<16xi1>
          %broadcast_in_dim3A_271 = arith.constant 0 : i32
          %broadcast_in_dim3A_272 = vector.broadcast %broadcast_in_dim3A_271 : i32 to vector<16xi32>
          tpu.vector_store_idx %arg12[%add3A_223, %broadcast_in_dim3A_272], %broadcast_in_dim3A_236 masked %not3A_270 : memref<512x33xf32, #tpu.memory_space<vmem>>[vector<16xi32>, vector<16xi32>], vector<16xf32>, vector<16xi1>
          %broadcast_in_dim3A_273 = arith.constant 1 : i32
          %broadcast_in_dim3A_274 = vector.broadcast %broadcast_in_dim3A_273 : i32 to vector<16xi32>
          tpu.vector_store_idx %arg12[%add3A_223, %broadcast_in_dim3A_274], %broadcast_in_dim3A_236 masked %not3A_270 : memref<512x33xf32, #tpu.memory_space<vmem>>[vector<16xi32>, vector<16xi32>], vector<16xf32>, vector<16xi1>
          %broadcast_in_dim3A_275 = arith.constant 2 : i32
          %broadcast_in_dim3A_276 = vector.broadcast %broadcast_in_dim3A_275 : i32 to vector<16xi32>
          tpu.vector_store_idx %arg12[%add3A_223, %broadcast_in_dim3A_276], %broadcast_in_dim3A_236 masked %not3A_270 : memref<512x33xf32, #tpu.memory_space<vmem>>[vector<16xi32>, vector<16xi32>], vector<16xf32>, vector<16xi1>
          %broadcast_in_dim3A_277 = arith.constant 3 : i32
          %broadcast_in_dim3A_278 = vector.broadcast %broadcast_in_dim3A_277 : i32 to vector<16xi32>
          tpu.vector_store_idx %arg12[%add3A_223, %broadcast_in_dim3A_278], %broadcast_in_dim3A_236 masked %not3A_270 : memref<512x33xf32, #tpu.memory_space<vmem>>[vector<16xi32>, vector<16xi32>], vector<16xf32>, vector<16xi1>
          %broadcast_in_dim3A_279 = arith.constant 4 : i32
          %broadcast_in_dim3A_280 = vector.broadcast %broadcast_in_dim3A_279 : i32 to vector<16xi32>
          tpu.vector_store_idx %arg12[%add3A_223, %broadcast_in_dim3A_280], %broadcast_in_dim3A_236 masked %not3A_270 : memref<512x33xf32, #tpu.memory_space<vmem>>[vector<16xi32>, vector<16xi32>], vector<16xf32>, vector<16xi1>
          %broadcast_in_dim3A_281 = arith.constant 5 : i32
          %broadcast_in_dim3A_282 = vector.broadcast %broadcast_in_dim3A_281 : i32 to vector<16xi32>
          tpu.vector_store_idx %arg12[%add3A_223, %broadcast_in_dim3A_282], %broadcast_in_dim3A_236 masked %not3A_270 : memref<512x33xf32, #tpu.memory_space<vmem>>[vector<16xi32>, vector<16xi32>], vector<16xf32>, vector<16xi1>
          %broadcast_in_dim3A_283 = arith.constant 6 : i32
          %broadcast_in_dim3A_284 = vector.broadcast %broadcast_in_dim3A_283 : i32 to vector<16xi32>
          tpu.vector_store_idx %arg12[%add3A_223, %broadcast_in_dim3A_284], %broadcast_in_dim3A_236 masked %not3A_270 : memref<512x33xf32, #tpu.memory_space<vmem>>[vector<16xi32>, vector<16xi32>], vector<16xf32>, vector<16xi1>
          %broadcast_in_dim3A_285 = arith.constant 7 : i32
          %broadcast_in_dim3A_286 = vector.broadcast %broadcast_in_dim3A_285 : i32 to vector<16xi32>
          tpu.vector_store_idx %arg12[%add3A_223, %broadcast_in_dim3A_286], %broadcast_in_dim3A_236 masked %not3A_270 : memref<512x33xf32, #tpu.memory_space<vmem>>[vector<16xi32>, vector<16xi32>], vector<16xf32>, vector<16xi1>
          %broadcast_in_dim3A_287 = arith.constant 8 : i32
          %broadcast_in_dim3A_288 = vector.broadcast %broadcast_in_dim3A_287 : i32 to vector<16xi32>
          tpu.vector_store_idx %arg12[%add3A_223, %broadcast_in_dim3A_288], %broadcast_in_dim3A_236 masked %not3A_270 : memref<512x33xf32, #tpu.memory_space<vmem>>[vector<16xi32>, vector<16xi32>], vector<16xf32>, vector<16xi1>
          %broadcast_in_dim3A_289 = arith.constant 9 : i32
          %broadcast_in_dim3A_290 = vector.broadcast %broadcast_in_dim3A_289 : i32 to vector<16xi32>
          tpu.vector_store_idx %arg12[%add3A_223, %broadcast_in_dim3A_290], %broadcast_in_dim3A_236 masked %not3A_270 : memref<512x33xf32, #tpu.memory_space<vmem>>[vector<16xi32>, vector<16xi32>], vector<16xf32>, vector<16xi1>
          %broadcast_in_dim3A_291 = arith.constant 10 : i32
          %broadcast_in_dim3A_292 = vector.broadcast %broadcast_in_dim3A_291 : i32 to vector<16xi32>
          tpu.vector_store_idx %arg12[%add3A_223, %broadcast_in_dim3A_292], %broadcast_in_dim3A_236 masked %not3A_270 : memref<512x33xf32, #tpu.memory_space<vmem>>[vector<16xi32>, vector<16xi32>], vector<16xf32>, vector<16xi1>
          %broadcast_in_dim3A_293 = arith.constant 11 : i32
          %broadcast_in_dim3A_294 = vector.broadcast %broadcast_in_dim3A_293 : i32 to vector<16xi32>
          tpu.vector_store_idx %arg12[%add3A_223, %broadcast_in_dim3A_294], %broadcast_in_dim3A_236 masked %not3A_270 : memref<512x33xf32, #tpu.memory_space<vmem>>[vector<16xi32>, vector<16xi32>], vector<16xf32>, vector<16xi1>
          %broadcast_in_dim3A_295 = arith.constant 12 : i32
          %broadcast_in_dim3A_296 = vector.broadcast %broadcast_in_dim3A_295 : i32 to vector<16xi32>
          tpu.vector_store_idx %arg12[%add3A_223, %broadcast_in_dim3A_296], %broadcast_in_dim3A_236 masked %not3A_270 : memref<512x33xf32, #tpu.memory_space<vmem>>[vector<16xi32>, vector<16xi32>], vector<16xf32>, vector<16xi1>
          %broadcast_in_dim3A_297 = arith.constant 13 : i32
          %broadcast_in_dim3A_298 = vector.broadcast %broadcast_in_dim3A_297 : i32 to vector<16xi32>
          tpu.vector_store_idx %arg12[%add3A_223, %broadcast_in_dim3A_298], %broadcast_in_dim3A_236 masked %not3A_270 : memref<512x33xf32, #tpu.memory_space<vmem>>[vector<16xi32>, vector<16xi32>], vector<16xf32>, vector<16xi1>
          %broadcast_in_dim3A_299 = arith.constant 14 : i32
          %broadcast_in_dim3A_300 = vector.broadcast %broadcast_in_dim3A_299 : i32 to vector<16xi32>
          tpu.vector_store_idx %arg12[%add3A_223, %broadcast_in_dim3A_300], %broadcast_in_dim3A_236 masked %not3A_270 : memref<512x33xf32, #tpu.memory_space<vmem>>[vector<16xi32>, vector<16xi32>], vector<16xf32>, vector<16xi1>
          %broadcast_in_dim3A_301 = arith.constant 15 : i32
          %broadcast_in_dim3A_302 = vector.broadcast %broadcast_in_dim3A_301 : i32 to vector<16xi32>
          tpu.vector_store_idx %arg12[%add3A_223, %broadcast_in_dim3A_302], %broadcast_in_dim3A_236 masked %not3A_270 : memref<512x33xf32, #tpu.memory_space<vmem>>[vector<16xi32>, vector<16xi32>], vector<16xf32>, vector<16xi1>
          %broadcast_in_dim3A_303 = arith.constant 16 : i32
          %broadcast_in_dim3A_304 = vector.broadcast %broadcast_in_dim3A_303 : i32 to vector<16xi32>
          tpu.vector_store_idx %arg12[%add3A_223, %broadcast_in_dim3A_304], %broadcast_in_dim3A_236 masked %not3A_270 : memref<512x33xf32, #tpu.memory_space<vmem>>[vector<16xi32>, vector<16xi32>], vector<16xf32>, vector<16xi1>
          %broadcast_in_dim3A_305 = arith.constant 17 : i32
          %broadcast_in_dim3A_306 = vector.broadcast %broadcast_in_dim3A_305 : i32 to vector<16xi32>
          tpu.vector_store_idx %arg12[%add3A_223, %broadcast_in_dim3A_306], %broadcast_in_dim3A_236 masked %not3A_270 : memref<512x33xf32, #tpu.memory_space<vmem>>[vector<16xi32>, vector<16xi32>], vector<16xf32>, vector<16xi1>
          %broadcast_in_dim3A_307 = arith.constant 18 : i32
          %broadcast_in_dim3A_308 = vector.broadcast %broadcast_in_dim3A_307 : i32 to vector<16xi32>
          tpu.vector_store_idx %arg12[%add3A_223, %broadcast_in_dim3A_308], %broadcast_in_dim3A_236 masked %not3A_270 : memref<512x33xf32, #tpu.memory_space<vmem>>[vector<16xi32>, vector<16xi32>], vector<16xf32>, vector<16xi1>
          %broadcast_in_dim3A_309 = arith.constant 19 : i32
          %broadcast_in_dim3A_310 = vector.broadcast %broadcast_in_dim3A_309 : i32 to vector<16xi32>
          tpu.vector_store_idx %arg12[%add3A_223, %broadcast_in_dim3A_310], %broadcast_in_dim3A_236 masked %not3A_270 : memref<512x33xf32, #tpu.memory_space<vmem>>[vector<16xi32>, vector<16xi32>], vector<16xf32>, vector<16xi1>
          %broadcast_in_dim3A_311 = arith.constant 20 : i32
          %broadcast_in_dim3A_312 = vector.broadcast %broadcast_in_dim3A_311 : i32 to vector<16xi32>
          tpu.vector_store_idx %arg12[%add3A_223, %broadcast_in_dim3A_312], %broadcast_in_dim3A_236 masked %not3A_270 : memref<512x33xf32, #tpu.memory_space<vmem>>[vector<16xi32>, vector<16xi32>], vector<16xf32>, vector<16xi1>
          %broadcast_in_dim3A_313 = arith.constant 21 : i32
          %broadcast_in_dim3A_314 = vector.broadcast %broadcast_in_dim3A_313 : i32 to vector<16xi32>
          tpu.vector_store_idx %arg12[%add3A_223, %broadcast_in_dim3A_314], %broadcast_in_dim3A_236 masked %not3A_270 : memref<512x33xf32, #tpu.memory_space<vmem>>[vector<16xi32>, vector<16xi32>], vector<16xf32>, vector<16xi1>
          %broadcast_in_dim3A_315 = arith.constant 22 : i32
          %broadcast_in_dim3A_316 = vector.broadcast %broadcast_in_dim3A_315 : i32 to vector<16xi32>
          tpu.vector_store_idx %arg12[%add3A_223, %broadcast_in_dim3A_316], %broadcast_in_dim3A_236 masked %not3A_270 : memref<512x33xf32, #tpu.memory_space<vmem>>[vector<16xi32>, vector<16xi32>], vector<16xf32>, vector<16xi1>
          %broadcast_in_dim3A_317 = arith.constant 23 : i32
          %broadcast_in_dim3A_318 = vector.broadcast %broadcast_in_dim3A_317 : i32 to vector<16xi32>
          tpu.vector_store_idx %arg12[%add3A_223, %broadcast_in_dim3A_318], %broadcast_in_dim3A_236 masked %not3A_270 : memref<512x33xf32, #tpu.memory_space<vmem>>[vector<16xi32>, vector<16xi32>], vector<16xf32>, vector<16xi1>
          %broadcast_in_dim3A_319 = arith.constant 24 : i32
          %broadcast_in_dim3A_320 = vector.broadcast %broadcast_in_dim3A_319 : i32 to vector<16xi32>
          tpu.vector_store_idx %arg12[%add3A_223, %broadcast_in_dim3A_320], %broadcast_in_dim3A_236 masked %not3A_270 : memref<512x33xf32, #tpu.memory_space<vmem>>[vector<16xi32>, vector<16xi32>], vector<16xf32>, vector<16xi1>
          %broadcast_in_dim3A_321 = arith.constant 25 : i32
          %broadcast_in_dim3A_322 = vector.broadcast %broadcast_in_dim3A_321 : i32 to vector<16xi32>
          tpu.vector_store_idx %arg12[%add3A_223, %broadcast_in_dim3A_322], %broadcast_in_dim3A_236 masked %not3A_270 : memref<512x33xf32, #tpu.memory_space<vmem>>[vector<16xi32>, vector<16xi32>], vector<16xf32>, vector<16xi1>
          %broadcast_in_dim3A_323 = arith.constant 26 : i32
          %broadcast_in_dim3A_324 = vector.broadcast %broadcast_in_dim3A_323 : i32 to vector<16xi32>
          tpu.vector_store_idx %arg12[%add3A_223, %broadcast_in_dim3A_324], %broadcast_in_dim3A_236 masked %not3A_270 : memref<512x33xf32, #tpu.memory_space<vmem>>[vector<16xi32>, vector<16xi32>], vector<16xf32>, vector<16xi1>
          %broadcast_in_dim3A_325 = arith.constant 27 : i32
          %broadcast_in_dim3A_326 = vector.broadcast %broadcast_in_dim3A_325 : i32 to vector<16xi32>
          tpu.vector_store_idx %arg12[%add3A_223, %broadcast_in_dim3A_326], %broadcast_in_dim3A_236 masked %not3A_270 : memref<512x33xf32, #tpu.memory_space<vmem>>[vector<16xi32>, vector<16xi32>], vector<16xf32>, vector<16xi1>
          %broadcast_in_dim3A_327 = arith.constant 28 : i32
          %broadcast_in_dim3A_328 = vector.broadcast %broadcast_in_dim3A_327 : i32 to vector<16xi32>
          tpu.vector_store_idx %arg12[%add3A_223, %broadcast_in_dim3A_328], %broadcast_in_dim3A_236 masked %not3A_270 : memref<512x33xf32, #tpu.memory_space<vmem>>[vector<16xi32>, vector<16xi32>], vector<16xf32>, vector<16xi1>
          %broadcast_in_dim3A_329 = arith.constant 29 : i32
          %broadcast_in_dim3A_330 = vector.broadcast %broadcast_in_dim3A_329 : i32 to vector<16xi32>
          tpu.vector_store_idx %arg12[%add3A_223, %broadcast_in_dim3A_330], %broadcast_in_dim3A_236 masked %not3A_270 : memref<512x33xf32, #tpu.memory_space<vmem>>[vector<16xi32>, vector<16xi32>], vector<16xf32>, vector<16xi1>
          %broadcast_in_dim3A_331 = arith.constant 30 : i32
          %broadcast_in_dim3A_332 = vector.broadcast %broadcast_in_dim3A_331 : i32 to vector<16xi32>
          tpu.vector_store_idx %arg12[%add3A_223, %broadcast_in_dim3A_332], %broadcast_in_dim3A_236 masked %not3A_270 : memref<512x33xf32, #tpu.memory_space<vmem>>[vector<16xi32>, vector<16xi32>], vector<16xf32>, vector<16xi1>
          %broadcast_in_dim3A_333 = arith.constant 31 : i32
          %broadcast_in_dim3A_334 = vector.broadcast %broadcast_in_dim3A_333 : i32 to vector<16xi32>
          tpu.vector_store_idx %arg12[%add3A_223, %broadcast_in_dim3A_334], %broadcast_in_dim3A_236 masked %not3A_270 : memref<512x33xf32, #tpu.memory_space<vmem>>[vector<16xi32>, vector<16xi32>], vector<16xf32>, vector<16xi1>
        } else {
        }
        %scan3A_269 = arith.constant 0 : i32
        scf.yield %scan3A_269 : i32
      }
      %scan3A_209 = arith.constant 32 : i32
      %scan3A_210 = arith.constant 0 : i32
      %scan3A_211 = arith.constant 0 : i32
      %scan3A_212 = arith.constant 512 : i32
      %scan3A_213 = arith.addi %scan3A_211, %scan3A_212 : i32
      %scan3A_214 = arith.constant 1 : i32
      %scan3A_215 = scf.for %scan3A_218 = %scan3A_211 to %scan3A_213 step %scan3A_214 iter_args(%scan3A_219 = %scan3A_210) -> (i32)  : i32 {
        %get3A = arith.index_cast %scan3A_218 : i32 to index
        %get3A_220 = arith.constant 0 : index
        %get3A_221 = tpu.vector_load %arg11[%get3A, %get3A_220] {strides = array<i32>} : memref<512x33xf32, #tpu.memory_space<vmem>>, vector<16xf32>,
        %swap3A = arith.index_cast %scan3A_218 : i32 to index
        %swap3A_222 = arith.constant 0 : index
        %swap3A_223 = tpu.vector_load %arg13[%swap3A, %swap3A_222] {strides = array<i32>} : memref<512x65xf32, #tpu.memory_space<vmem>>, vector<16xf32>,
        tpu.vector_store %arg13[%swap3A, %swap3A_222], %get3A_221 {strides = array<i32>} : memref<512x65xf32, #tpu.memory_space<vmem>>, vector<16xf32>,
        %get3A_224 = arith.index_cast %scan3A_218 : i32 to index
        %get3A_225 = arith.constant 16 : index
        %get3A_226 = tpu.vector_load %arg11[%get3A_224, %get3A_225] {strides = array<i32>} : memref<512x33xf32, #tpu.memory_space<vmem>>, vector<16xf32>,
        %swap3A_227 = arith.index_cast %scan3A_218 : i32 to index
        %swap3A_228 = arith.constant 16 : index
        %swap3A_229 = tpu.vector_load %arg13[%swap3A_227, %swap3A_228] {strides = array<i32>} : memref<512x65xf32, #tpu.memory_space<vmem>>, vector<16xf32>,
        tpu.vector_store %arg13[%swap3A_227, %swap3A_228], %get3A_226 {strides = array<i32>} : memref<512x65xf32, #tpu.memory_space<vmem>>, vector<16xf32>,
        %get3A_230 = arith.index_cast %scan3A_218 : i32 to index
        %get3A_231 = arith.constant 0 : index
        %get3A_232 = tpu.vector_load %arg12[%get3A_230, %get3A_231] {strides = array<i32>} : memref<512x33xf32, #tpu.memory_space<vmem>>, vector<16xf32>,
        %swap3A_233 = arith.index_cast %scan3A_218 : i32 to index
        %swap3A_234 = arith.constant 32 : index
        %swap3A_235 = tpu.vector_load %arg13[%swap3A_233, %swap3A_234] {strides = array<i32>} : memref<512x65xf32, #tpu.memory_space<vmem>>, vector<16xf32>,
        tpu.vector_store %arg13[%swap3A_233, %swap3A_234], %get3A_232 {strides = array<i32>} : memref<512x65xf32, #tpu.memory_space<vmem>>, vector<16xf32>,
        %get3A_236 = arith.index_cast %scan3A_218 : i32 to index
        %get3A_237 = arith.constant 16 : index
        %get3A_238 = tpu.vector_load %arg12[%get3A_236, %get3A_237] {strides = array<i32>} : memref<512x33xf32, #tpu.memory_space<vmem>>, vector<16xf32>,
        %swap3A_239 = arith.index_cast %scan3A_218 : i32 to index
        %swap3A_240 = arith.constant 48 : index
        %swap3A_241 = tpu.vector_load %arg13[%swap3A_239, %swap3A_240] {strides = array<i32>} : memref<512x65xf32, #tpu.memory_space<vmem>>, vector<16xf32>,
        tpu.vector_store %arg13[%swap3A_239, %swap3A_240], %get3A_238 {strides = array<i32>} : memref<512x65xf32, #tpu.memory_space<vmem>>, vector<16xf32>,
        %scan3A_242 = arith.constant 0 : i32
        scf.yield %scan3A_242 : i32
      }
      %scan3A_216 = arith.constant 512 : i32
      "tpu.region"() ({
        %run_scoped3A = tpu.sem_alloc : memref<!tpu.dma_semaphore, #tpu.memory_space<semaphore_mem>>
        %dma_start3A_218 = arith.constant 0 : i32
        %dma_start3A_219 = tpu.memref_slice %arg6[%add3A_16, %dma_start3A_218] : memref<524288x65xf32, #tpu.memory_space<hbm>> -> memref<512x65xf32, #tpu.memory_space<hbm>>
        %dma_start3A_220 = arith.constant 0 : i32
        %dma_start3A_221 = tpu.memref_slice %arg6[%add3A_16, %dma_start3A_220] : memref<524288x65xf32, #tpu.memory_space<hbm>> -> memref<512x65xf32, #tpu.memory_space<hbm>>
        tpu.enqueue_dma source(%arg13 : memref<512x65xf32, #tpu.memory_space<vmem>>) target(%dma_start3A_221 : memref<512x65xf32, #tpu.memory_space<hbm>>) target_semaphore(%run_scoped3A : memref<!tpu.dma_semaphore, #tpu.memory_space<semaphore_mem>>)
        %dma_wait3A_222 = arith.constant 0 : i32
        %dma_wait3A_223 = tpu.memref_slice %arg6[%add3A_16, %dma_wait3A_222] : memref<524288x65xf32, #tpu.memory_space<hbm>> -> memref<512x65xf32, #tpu.memory_space<hbm>>
        %dma_wait3A_224 = arith.constant 0 : i32
        %dma_wait3A_225 = tpu.memref_slice %arg6[%add3A_16, %dma_wait3A_224] : memref<524288x65xf32, #tpu.memory_space<hbm>> -> memref<512x65xf32, #tpu.memory_space<hbm>>
        tpu.wait_dma2 semaphore(%run_scoped3A : memref<!tpu.dma_semaphore, #tpu.memory_space<semaphore_mem>>) src(%arg13 : memref<512x65xf32, #tpu.memory_space<vmem>>) dst(%dma_wait3A_225 : memref<512x65xf32, #tpu.memory_space<hbm>>)
        tpu.yield
      }) : () -> ()
      %scan3A_217 = arith.constant 0 : i32
      scf.yield %scan3A_217 : i32
    }
    %scan3A_11 = arith.constant 32 : i32
    return
  }
}

</mosaic_0001>

<sc_bundles>
// kernel: kernel.3.cloned.1.call-start
scs
__scs_entry_jumppad:
0x0: {  	(pc) =	sbr.rel $0x88, $3  }
0x1: {  	(tag) =	ssettag $0x0;
	lr =	simm.s32 $0x1  }
0x2: {  	[smem:$0x3F9D] =	sst lr;
	_ =	strace $0xD0000000  }
0x3: {  	_ = 	snop  }
0x4: {  	_ = 	snop  }
0x5: {  	_ = 	snop  }
0x6: {  	_ = 	snop  }
0x7: {  	_ = 	snop  }
__scs_overlays_trampoline_lowered:
0x8: {  	[smem:$0x3FAC] =	sst s0  }
0x9: {  	[smem:$0x3FAD] =	sst s1  }
0xa: {  	[smem:$0x3FAE] =	sst s2  }
0xb: {  	[smem:$0x3FAF] =	sst s3  }
0xc: {  	[smem:$0x3FB0] =	sst s4  }
0xd: {  	[smem:$0x3FB1] =	sst s5  }
0xe: {  	[smem:$0x3FB2] =	sst s6  }
0xf: {  	[smem:$0x3FB3] =	sst s7  }
0x10: {  	[smem:$0x3FB4] =	sst s8  }
0x11: {  	[smem:$0x3FB5] =	sst s9;
	s0 =	simm.s32 @!p0 $0x0  }
0x12: {  	s1 =	sld [smem:$0x3F9B];
	s0 =	simm.s32 @p0 $0x1  }
0x13: {  	[smem:$0x3FB6] =	sst s0;
	s0 =	simm.s32 @!p1 $0x0  }
0x14: {  	s2 =	sld [smem:$0x3F9A];
	s0 =	simm.s32 @p1 $0x1  }
0x15: {  	[smem:$0x3FB7] =	sst s0;
	s0 =	simm.s32 @!p2 $0x0  }
0x16: {  	s3 =	sld [smem:$0x3FDB];
	s0 =	simm.s32 @p2 $0x1  }
0x17: {  	s4 =	simm.s32 $0x1BF5;
	[smem:$0x3FB9] =	sst s0  }
0x18: {  	s0 =	sld [smem:$0x3F9C];
	_ =	swait.ge [sflag:s4], $0x0  }
0x19: {  	s7 =	sld [smem:$0x3F9D]  }
0x1a: {  	s8 =	sadd.s32 $0xFFFFE003, lr  }
0x1b: {  	s9 =	sadd.s32 $0xFFFFFEF7, lr;
	s5 =	simm.s32 $0xFFFFFFFF;
	p2 =	slt.u32 s8, $0xFFFFF086  }
0x1c: {  	p1 =	slt.u32 s9, $0xF7A;
	s5 =	simm.s32 @!p2 $0x0  }
0x1d: {  	s5 =	simm.s32 @p1 $0x1;
	p0 =	seq.s32 s7, s2  }
0x1e: {  	s7 =	smul.u32 @!p0 $0xF7A, s2;
	p2 =	seq.s32 @!p0 s5, $0x0  }
0x1f: {  	s9 =	smul.u32 $0xF7A, s1;
	s8 =	simm.s32 @!p0 $0x1BF5;
	p2 =	por !p2, p0  }
0x20: {  	[sflag:s8] =	ssyncset.s32 @!p0 $0xFFFFF086;
	s6 =	sadd.s32 @!p0 s3, s7;
	s7 =	simm.s32 @!p0 $0x108  }
0x21: {  	s3 =	sadd.s32 s3, s9;
	s6 =	sadd.s32 @!p0 $0x88, s6;
	s7 =	simm.s32 @p2 $0x1082  }
0x22: {  	[simem:s7], [sflag:s8] =	dma.local @!p0 [hbm:s6], $0xF7A  }
0x23: {  	s9 =	sor.u32 $0xD0000000, s2;
	s6 =	simm.s32 $0x108;
	_ =	swait.ge @!p0 [sflag:s8], $0x0  }
0x24: {  	s3 =	sadd.s32 $0x88, s3;
	s6 =	simm.s32 @!p1 $0x1082;
	[sflag:s4] =	ssyncset.s32 $0xFFFFF086  }
0x25: {  	[simem:s6], [sflag:s4] =	dma.local [hbm:s3], $0xF7A  }
0x26: {  	[smem:$0x3F9D] =	sst s1;
	(tag) =	ssettag s2;
	_ =	strace s9  }
0x27: {  	s1 =	sld [smem:$0x3FAD]  }
0x28: {  	s2 =	sld [smem:$0x3FAE]  }
0x29: {  	s4 =	sld [smem:$0x3FB0]  }
0x2a: {  	p0 =	seq.s32 s5, $0x0;
	s5 =	sld [smem:$0x3FB1]  }
0x2b: {  	s6 =	sld [smem:$0x3FB2]  }
0x2c: {  	s7 =	sld [smem:$0x3FB3]  }
0x2d: {  	s3 =	simm.s32 $0x108;
	s8 =	sld [smem:$0x3FB4]  }
0x2e: {  	s3 =	simm.s32 @!p0 $0x1082;
	s9 =	sld [smem:$0x3FB5]  }
0x2f: {  	lr =	sadd.s32 s0, s3;
	s0 =	sld [smem:$0x3FAC]  }
0x30: {  	s3 =	sld [smem:$0x3FAF]  }
0x31: {  	[smem:$0x3FB8] =	sst s10  }
0x32: {  	s10 =	sld [smem:$0x3FB6];
	_ =	sdelay $0x3  }
0x33: {  	p0 =	seq.s32 s10, $0x1;
	s10 =	sld [smem:$0x3FB8];
	_ =	sdelay $0x3  }
0x34: {  	[smem:$0x3FB8] =	sst s10  }
0x35: {  	s10 =	sld [smem:$0x3FB7];
	_ =	sdelay $0x3  }
0x36: {  	p1 =	seq.s32 s10, $0x1;
	s10 =	sld [smem:$0x3FB8];
	_ =	sdelay $0x3  }
0x37: {  	[smem:$0x3FB8] =	sst s10  }
0x38: {  	s10 =	sld [smem:$0x3FB9]  }
0x39: {  	_ = 	snop;
	(pc) =	sbr.ind lr, $3  }
0x3a: {  	_ = 	snop  }
0x3b: {  	_ = 	snop  }
0x3c: {  	p2 =	seq.s32 s10, $0x1;
	s10 =	sld [smem:$0x3FB8]  }
0x3d: {  	_ =	shalt  }
0x3e: {  	_ =	shalt  }
0x3f: {  	_ =	shalt  }
0x40: {  	_ =	shalt  }
0x41: {  	_ =	shalt  }
0x42: {  	_ =	shalt  }
0x43: {  	_ =	shalt  }
0x44: {  	_ =	shalt  }
0x45: {  	_ =	shalt  }
0x46: {  	_ =	shalt  }
0x47: {  	_ =	shalt  }
0x48: {  	_ =	shalt  }
0x49: {  	_ =	shalt  }
0x4a: {  	_ =	shalt  }
0x4b: {  	_ =	shalt  }
0x4c: {  	_ =	shalt  }
0x4d: {  	_ =	shalt  }
0x4e: {  	_ =	shalt  }
0x4f: {  	_ =	shalt  }
0x50: {  	_ =	shalt  }
0x51: {  	_ =	shalt  }
0x52: {  	_ =	shalt  }
0x53: {  	_ =	shalt  }
0x54: {  	_ =	shalt  }
0x55: {  	_ =	shalt  }
0x56: {  	_ =	shalt  }
0x57: {  	_ =	shalt  }
0x58: {  	_ =	shalt  }
0x59: {  	_ =	shalt  }
0x5a: {  	_ =	shalt  }
0x5b: {  	_ =	shalt  }
0x5c: {  	_ =	shalt  }
0x5d: {  	_ =	shalt  }
0x5e: {  	_ =	shalt  }
0x5f: {  	_ =	shalt  }
0x60: {  	_ =	shalt  }
0x61: {  	_ =	shalt  }
0x62: {  	_ =	shalt  }
0x63: {  	_ =	shalt  }
0x64: {  	_ =	shalt  }
0x65: {  	_ =	shalt  }
0x66: {  	_ =	shalt  }
0x67: {  	_ =	shalt  }
0x68: {  	_ =	shalt  }
0x69: {  	_ =	shalt  }
0x6a: {  	_ =	shalt  }
0x6b: {  	_ =	shalt  }
0x6c: {  	_ =	shalt  }
0x6d: {  	_ =	shalt  }
0x6e: {  	_ =	shalt  }
0x6f: {  	_ =	shalt  }
0x70: {  	_ =	shalt  }
0x71: {  	_ =	shalt  }
0x72: {  	_ =	shalt  }
0x73: {  	_ =	shalt  }
0x74: {  	_ =	shalt  }
0x75: {  	_ =	shalt  }
0x76: {  	_ =	shalt  }
0x77: {  	_ =	shalt  }
0x78: {  	_ =	shalt  }
0x79: {  	_ =	shalt  }
0x7a: {  	_ =	shalt  }
0x7b: {  	_ =	shalt  }
0x7c: {  	_ =	shalt  }
0x7d: {  	_ =	shalt  }
0x7e: {  	_ =	shalt  }
0x7f: {  	_ =	shalt  }
0x80: {  	_ =	shalt  }
0x81: {  	_ =	shalt  }
0x82: {  	_ =	shalt  }
0x83: {  	_ =	shalt  }
0x84: {  	_ =	shalt  }
0x85: {  	_ =	shalt  }
0x86: {  	_ =	shalt  }
0x87: {  	_ =	shalt  }
.Lfunc_end0:
.L_simem_size_0:
called_computation.1_lowered:
.L_overlay_start_0:
0x88: {  	s2 =	sld [smem:$0x3FD9]  }
0x89: {  	s3 =	sld [smem:$0x3FFE];
	_ =	sdelay $0x1  }
0x8a: {  	s1 =	srdreg.scid  }
0x8b: {  	s0 =	sand.u32 $0x1, s1  }
0x8c: {  	s17 =	sshll.u32 s0, $0xA;
	s2 =	sadd.s32 s3, s2  }
0x8d: {  	s2 =	sadd.s32 s2, s17  }
0x8e: {  	[smem:$0x3FC4] =	sst s2  }
0x8f: {  	_ = 	snop  }
0x90: {  	s2 =	sld [smem:$0x3FC7]  }
0x91: {  	s18 =	sld [smem:$0x3FC6]  }
0x92: {  	s4 =	sld [smem:$0x3FD0];
	(tm) =	ssettm $0x1  }
0x93: {  	s5 =	sld [smem:$0x3FFB];
	_ =	sdelay $0x3  }
0x94: {  	_ =	strace s5  }
0x95: {  	s5 =	sld [smem:$0x3FFC];
	_ =	sdelay $0x3  }
0x96: {  	_ =	strace s5  }
0x97: {  	s5 =	sld [smem:$0x3FFD];
	_ =	sdelay $0x3  }
0x98: {  	_ =	strace s5  }
0x99: {  	_ =	strace $0x8FFFFFFF  }
0x9a: {  	s19 =	sld [smem:$0x3FDB];
	_ =	sdelay $0x1  }
0x9b: {  	s6 =	simm.s32 $_scs_section_size  }
0x9c: {  	s7 =	simm.s32 $_size__tile_overlayer_lowered;
	s8 =	simm.s32 $_tile_overlayer_lowered  }
0x9d: {  	s22 =	simm.s32 $0x1BFF;
	s21 =	sshll.u32 s8, $0x1;
	s5 =	sadd.s32 s6, s19  }
0x9e: {  	s9 =	simm.s32 $0x0;
	s20 =	sshll.u32 s7, $0x1;
	s7 =	sadd.s32 s21, s5  }
0x9f: {  	[timem:s9], [sflag:s22] =	dma.local [hbm:s7], s20  }
0xa0: {  	_ =	swait.ge [sflag:s22], s20  }
0xa1: {  	s6 =	ssub.s32 $0x0, s20;
	[sflag:s22] =	ssyncset.done $0x0  }
0xa2: {  	[sflag:s22] =	ssyncadd.s32 s6;
	_ =	sdelay $0x1  }
0xa3: {  	s23 =	simm.s32 $0x1B8B  }
0xa4: {  	_ =	swait.ge [sflag:s23], $0x1  }
0xa5: {  	[sflag:s23] =	ssyncset.done $0x0  }
0xa6: {  	s25 =	simm.s32 $0x1B8E;
	s24 =	sld [smem:$0x3FFE];
	[sflag:s23] =	ssyncadd.s32 $0xFFFFFFFF  }
0xa7: {  	s26 =	simm.s32 $execute0_lowered;
	[smem:$0x3FD2] =	sst s25  }
0xa8: {  	s7 =	sshll.u32 s26, $0x1;
	_ =	strace $0x80000046;
	[dreg:$0x1] =	wrdreg $0xFFFFFFFF  }
0xa9: {  	s28 =	simm.s32 $_size_execute0_lowered;
	s5 =	sadd.s32 s5, s7;
	[dreg:$0x0] =	wrdreg $0x0  }
0xaa: {  	s7 =	sshll.u32 s28, $0x1;
	[dreg:$0x2] =	wrdreg s5  }
0xab: {  	[dreg:$0x3] =	wrdreg s7  }
0xac: {  	[dreg:$0x4] =	wrdreg $0xC0  }
0xad: {  	_ =	task [dreg:s9], $0x5FFFF  }
0xae: {  	[dreg:$0x1] =	wrdreg $0xFFFFFFFF  }
0xaf: {  	[dreg:$0x0] =	wrdreg $0x60  }
0xb0: {  	[dreg:$0x2] =	wrdreg s24  }
0xb1: {  	[dreg:$0x3] =	wrdreg s4  }
0xb2: {  	[dreg:$0x4] =	wrdreg s2  }
0xb3: {  	[dreg:$0x5] =	wrdreg s18  }
0xb4: {  	[dreg:$0x6] =	wrdreg $0x9  }
0xb5: {  	_ =	task.clear_ibuf [dreg:s9], $0x7FFFF;
	_ =	strace $0x90000046  }
0xb6: {  	s29 =	simm.s32 $0x9;
	_ =	strace $0x80000048  }
0xb7: {  	_ =	swait.ge [sflag:s29], $0x1  }
0xb8: {  	[sflag:s29] =	ssyncadd.s32 $0xFFFFFFFF  }
0xb9: {  	_ =	strace $0x90000048  }
0xba: {  	_ =	sfence  }
0xbb: {  	s30 =	sld [smem:$0x0];
	_ =	sdelay $0x2  }
0xbc: {  	s31 =	sshll.u32 s1, $0xD;
	s1 =	sshrl.u32 s1, $0x2  }
0xbd: {  	s3 =	sand.u32 $0x4000, s31;
	s1 =	sadd.s32 s1, s30  }
0xbe: {  	s0 =	sor.u32 s3, s0;
	s1 =	sshll.u32 s1, $0x11  }
0xbf: {  	s0 =	sor.u32 s1, s0  }
0xc0: {  	s0 =	sadd.s32 $0x8F2B, s0  }
0xc1: {  	[sflag:s0] =	ssyncadd.remote.s32 $0x1  }
0xc2: {  	_ =	sfence.sel $0xFFFF  }
0xc3: {  	[dreg:$0x0] =	wrdreg $0xFFFFFFFF;
	(pc) =	sbr.abs _section_cstart, $3  }
0xc4: {  	[dreg:$0x1] =	wrdreg $0xFFFFFFFF  }
0xc5: {  	_ =	task.clear_ibuf [dreg:s9], $0x2FFFF;
	_ =	strace $0x9FFFFFFF  }
0xc6: {  	(tm) =	ssettm $0x7FFFFFFF  }
0xc7: {  	_ =	shalt  }
tec
execute0_lowered:
.L_overlay_start_1:
0x0: {  	(tag) =	ssettag $0x1  }
0x1: {  	s0 =	rddreg [dreg:$0x0]  }
0x2: {  	s1 =	rddreg [dreg:$0x1];
	s3 =	simm.s32 $0x0;
	s2 =	srdreg.scid  }
0x3: {  	s4 =	stileid.u32;
	s10 =	simm.s32 $0x3;
	s11 =	simm.s32 $0x80  }
0x4: {  	s12 =	simm.s32 $0x400;
	s13 =	simm.s32 $0x800;
	s14 =	simm.s32 $0x600  }
0x5: {  	s15 =	simm.s32 $0x5800;
	s16 =	simm.s32 $0x480;
	s17 =	simm.s32 $0x1C00  }
0x6: {  	s18 =	simm.s32 $0x680;
	s19 =	simm.s32 $0x6C00;
	s20 =	simm.s32 $0x500  }
0x7: {  	s21 =	simm.s32 $0x3000;
	s22 =	simm.s32 $0x700;
	s23 =	simm.s32 $0x8000  }
0x8: {  	s28 =	simm.s32 $0x9400;
	s29 =	simm.s32 $0x1;
	s30 =	simm.s32 $0x2  }
0x9: {  	s31 =	simm.s32 $0xA800;
	[smem:$0x7FF] =	sst s3;
	s2 =	sand.u32 $0x1, s2  }
0xa: {  	s6 =	sadd.s32 $0xA00, s0;
	s7 =	sadd.s32 $0x4C5600, s0;
	s24 =	ssub.s32 $0x2, s2  }
0xb: {  	s26 =	sshll.u32 s4, $0xF;
	s2 =	sshll.u32 s2, $0xE;
	s25 =	sshrl.u32 s24, $0x1  }
0xc: {  	_ =	strace $0x80000047;
	s8 =	sor.u32 s2, s26;
	s0 =	ssub.s32 s24, s25  }
0xd: {  	s26 =	simm.s32 $0x780;
	s2 =	simm.s32 $0x0;
	s0 =	smax.u32 s0, $0x1  }
0xe: {  	v0 =	vlaneseq.u32;
	v1 =	vimm.f32 $0.0e+00;
	s24 =	simm.s32 $0x580;
	s25 =	simm.s32 $0x4400;
	[dreg:$0x5] =	wrdreg s0  }
.LBB2_1:
0xf: {  	[dreg:$0x6] =	wrdreg s2;
	s5 =	simm.s32 $0x0  }
.LBB2_2:
0x10: {  	s0 =	sshll.u32 s5, $0x9  }
0x11: {  	s9 =	sadd.s32 s8, s0  }
0x12: {  	s3 =	rddreg [dreg:$0x2];
	s2 =	sshrl.u32 s9, $0x3  }
0x13: {  	s0 =	simm.s32 $0x0;
	s3 =	sadd.s32 s3, s2  }
0x14: {  	[tilespmem:s0], [sflag:$0x3] =	stream.linear.gather [hbm4b:s3+s0], $0x200, $0x38;
	[tilespmem:$0x13800] =	vst v63  }
0x15: {  	_ =	swait.ge [sflag:s10], $0x200  }
0x16: {  	[sflag:s10] =	ssyncset.done $0x0  }
0x17: {  	[sflag:s10] =	ssyncadd.s32 $0xFFFFFE00  }
0x18: {  	s4 =	rddreg [dreg:$0x3]  }
0x19: {  	s3 =	sadd.s32 s4, s2;
	s2 =	simm.s32 $0x200  }
0x1a: {  	[tilespmem:s2], [sflag:$0x3] =	stream.linear.gather [hbm4b:s3+s0], $0x200, $0x38;
	[tilespmem:$0x13800] =	vst v63  }
0x1b: {  	_ =	swait.ge [sflag:s10], $0x200  }
0x1c: {  	[sflag:s10] =	ssyncset.done $0x0  }
0x1d: {  	[sflag:s10] =	ssyncadd.s32 $0xFFFFFE00  }
0x1e: {  	v2 =	vld [tilespmem:$0x0]  }
0x1f: {  	v3 =	vld [tilespmem:$0x200];
	_ =	sdelay $0x2  }
0x20: {  	v5 =	vld [tilespmem:$0x210]  }
0x21: {  	vm0 =	vgt.s32 v2, $0x0  }
0x22: {  	v6 =	vld [tilespmem:$0x20];
	vm13 =	vgt.s32 v3, $0x0;
	v2 =	vnsel vm0, $0x0, v2  }
0x23: {  	v3 =	vnsel vm13, $0x0, v3;
	[tilespmem:$0x0] =	vst v2  }
0x24: {  	v20 =	vld [tilespmem:$0x50];
	[tilespmem:$0x200] =	vst v3  }
0x25: {  	vm15 =	vgt.s32 v5, $0x0;
	[tilespmem:$0x400] =	vst v2  }
0x26: {  	v4 =	vld [tilespmem:$0x10];
	v15 =	vnsel vm15, $0x0, v5;
	[tilespmem:$0x600] =	vst v3  }
0x27: {  	vm4 =	vgt.s32 v6, $0x0;
	[tilespmem:$0x210] =	vst v15  }
0x28: {  	v19 =	vld [tilespmem:$0x240];
	v17 =	vnsel vm4, $0x0, v6;
	[tilespmem:$0x610] =	vst v15  }
0x29: {  	vm10 =	vgt.s32 v20, $0x0;
	[tilespmem:$0x20] =	vst v17  }
0x2a: {  	v25 =	vld [tilespmem:$0x80];
	v22 =	vnsel vm10, $0x0, v20;
	[tilespmem:$0x420] =	vst v17  }
0x2b: {  	vm14 =	vgt.s32 v4, $0x0;
	[tilespmem:$0x50] =	vst v22  }
0x2c: {  	v30 =	vld [tilespmem:$0xB0];
	v3 =	vnsel vm14, $0x0, v4;
	[tilespmem:$0x450] =	vst v22  }
0x2d: {  	vm9 =	vgt.s32 v19, $0x0;
	[tilespmem:$0x10] =	vst v3  }
0x2e: {  	v24 =	vld [tilespmem:$0x270];
	v4 =	vnsel vm9, $0x0, v19;
	[tilespmem:$0x410] =	vst v3  }
0x2f: {  	vm4 =	vgt.s32 v25, $0x0;
	[tilespmem:$0x240] =	vst v4  }
0x30: {  	v35 =	vld [tilespmem:$0xE0];
	v27 =	vnsel vm4, $0x0, v25;
	[tilespmem:$0x640] =	vst v4  }
0x31: {  	vm10 =	vgt.s32 v30, $0x0;
	[tilespmem:$0x80] =	vst v27  }
0x32: {  	v40 =	vld [tilespmem:$0x110];
	v32 =	vnsel vm10, $0x0, v30;
	[tilespmem:$0x480] =	vst v27  }
0x33: {  	vm15 =	vgt.s32 v24, $0x0;
	[tilespmem:$0xB0] =	vst v32  }
0x34: {  	v29 =	vld [tilespmem:$0x2A0];
	v4 =	vnsel vm15, $0x0, v24;
	[tilespmem:$0x4B0] =	vst v32  }
0x35: {  	vm4 =	vgt.s32 v35, $0x0;
	[tilespmem:$0x270] =	vst v4  }
0x36: {  	v45 =	vld [tilespmem:$0x140];
	v37 =	vnsel vm4, $0x0, v35;
	[tilespmem:$0x670] =	vst v4  }
0x37: {  	vm10 =	vgt.s32 v40, $0x0;
	[tilespmem:$0xE0] =	vst v37  }
0x38: {  	v2 =	vld [tilespmem:$0x220];
	v42 =	vnsel vm10, $0x0, v40;
	[tilespmem:$0x4E0] =	vst v37  }
0x39: {  	vm9 =	vgt.s32 v29, $0x0;
	[tilespmem:$0x110] =	vst v42  }
0x3a: {  	v16 =	vld [tilespmem:$0x30];
	v4 =	vnsel vm9, $0x0, v29;
	[tilespmem:$0x510] =	vst v42  }
0x3b: {  	vm4 =	vgt.s32 v45, $0x0;
	[tilespmem:$0x2A0] =	vst v4  }
0x3c: {  	v3 =	vld [tilespmem:$0x230];
	v47 =	vnsel vm4, $0x0, v45;
	[tilespmem:$0x6A0] =	vst v4  }
0x3d: {  	[tilespmem:$0x140] =	vst v47;
	vm5 =	vgt.s32 v2, $0x0  }
0x3e: {  	v18 =	vld [tilespmem:$0x40];
	[tilespmem:$0x540] =	vst v47;
	v2 =	vnsel vm5, $0x0, v2  }
0x3f: {  	vm6 =	vgt.s32 v16, $0x0;
	[tilespmem:$0x220] =	vst v2  }
0x40: {  	v50 =	vld [tilespmem:$0x170];
	[tilespmem:$0x620] =	vst v2;
	v2 =	vnsel vm6, $0x0, v16  }
0x41: {  	vm7 =	vgt.s32 v3, $0x0;
	[tilespmem:$0x30] =	vst v2  }
0x42: {  	v3 =	vnsel vm7, $0x0, v3;
	[tilespmem:$0x430] =	vst v2;
	v2 =	vld [tilespmem:$0x250]  }
0x43: {  	vm8 =	vgt.s32 v18, $0x0;
	[tilespmem:$0x230] =	vst v3  }
0x44: {  	v21 =	vld [tilespmem:$0x60];
	[tilespmem:$0x630] =	vst v3;
	v3 =	vnsel vm8, $0x0, v18  }
0x45: {  	vm10 =	vgt.s32 v50, $0x0;
	[tilespmem:$0x40] =	vst v3  }
0x46: {  	v52 =	vnsel vm10, $0x0, v50;
	[tilespmem:$0x440] =	vst v3;
	v3 =	vld [tilespmem:$0x260]  }
0x47: {  	[tilespmem:$0x170] =	vst v52;
	vm11 =	vgt.s32 v2, $0x0  }
0x48: {  	v23 =	vld [tilespmem:$0x70];
	[tilespmem:$0x570] =	vst v52;
	v2 =	vnsel vm11, $0x0, v2  }
0x49: {  	vm12 =	vgt.s32 v21, $0x0;
	[tilespmem:$0x250] =	vst v2  }
0x4a: {  	v34 =	vld [tilespmem:$0x2D0];
	[tilespmem:$0x650] =	vst v2;
	v2 =	vnsel vm12, $0x0, v21  }
0x4b: {  	vm13 =	vgt.s32 v3, $0x0;
	[tilespmem:$0x60] =	vst v2  }
0x4c: {  	v3 =	vnsel vm13, $0x0, v3;
	[tilespmem:$0x460] =	vst v2;
	v2 =	vld [tilespmem:$0x280]  }
0x4d: {  	vm14 =	vgt.s32 v23, $0x0;
	[tilespmem:$0x260] =	vst v3  }
0x4e: {  	v26 =	vld [tilespmem:$0x90];
	[tilespmem:$0x660] =	vst v3;
	v3 =	vnsel vm14, $0x0, v23  }
0x4f: {  	vm15 =	vgt.s32 v34, $0x0;
	[tilespmem:$0x70] =	vst v3  }
0x50: {  	v4 =	vnsel vm15, $0x0, v34;
	[tilespmem:$0x470] =	vst v3;
	v3 =	vld [tilespmem:$0x290]  }
0x51: {  	[tilespmem:$0x2D0] =	vst v4;
	vm5 =	vgt.s32 v2, $0x0  }
0x52: {  	v28 =	vld [tilespmem:$0xA0];
	[tilespmem:$0x6D0] =	vst v4;
	v2 =	vnsel vm5, $0x0, v2  }
0x53: {  	vm6 =	vgt.s32 v26, $0x0;
	[tilespmem:$0x280] =	vst v2  }
0x54: {  	v55 =	vld [tilespmem:$0x1A0];
	[tilespmem:$0x680] =	vst v2;
	v2 =	vnsel vm6, $0x0, v26  }
0x55: {  	vm7 =	vgt.s32 v3, $0x0;
	[tilespmem:$0x90] =	vst v2  }
0x56: {  	v3 =	vnsel vm7, $0x0, v3;
	[tilespmem:$0x490] =	vst v2;
	v2 =	vld [tilespmem:$0x2B0]  }
0x57: {  	vm8 =	vgt.s32 v28, $0x0;
	[tilespmem:$0x290] =	vst v3  }
0x58: {  	v31 =	vld [tilespmem:$0xC0];
	[tilespmem:$0x690] =	vst v3;
	v3 =	vnsel vm8, $0x0, v28  }
0x59: {  	vm4 =	vgt.s32 v55, $0x0;
	[tilespmem:$0xA0] =	vst v3  }
0x5a: {  	v57 =	vnsel vm4, $0x0, v55;
	[tilespmem:$0x4A0] =	vst v3;
	v3 =	vld [tilespmem:$0x2C0]  }
0x5b: {  	[tilespmem:$0x1A0] =	vst v57;
	vm11 =	vgt.s32 v2, $0x0  }
0x5c: {  	v33 =	vld [tilespmem:$0xD0];
	[tilespmem:$0x5A0] =	vst v57;
	v2 =	vnsel vm11, $0x0, v2  }
0x5d: {  	vm12 =	vgt.s32 v31, $0x0;
	[tilespmem:$0x2B0] =	vst v2  }
0x5e: {  	v39 =	vld [tilespmem:$0x300];
	[tilespmem:$0x6B0] =	vst v2;
	v2 =	vnsel vm12, $0x0, v31  }
0x5f: {  	vm13 =	vgt.s32 v3, $0x0;
	[tilespmem:$0xC0] =	vst v2  }
0x60: {  	v3 =	vnsel vm13, $0x0, v3;
	[tilespmem:$0x4C0] =	vst v2;
	v2 =	vld [tilespmem:$0x2E0]  }
0x61: {  	vm14 =	vgt.s32 v33, $0x0;
	[tilespmem:$0x2C0] =	vst v3  }
0x62: {  	v36 =	vld [tilespmem:$0xF0];
	[tilespmem:$0x6C0] =	vst v3;
	v3 =	vnsel vm14, $0x0, v33  }
0x63: {  	vm9 =	vgt.s32 v39, $0x0;
	[tilespmem:$0xD0] =	vst v3  }
0x64: {  	v4 =	vnsel vm9, $0x0, v39;
	[tilespmem:$0x4D0] =	vst v3;
	v3 =	vld [tilespmem:$0x2F0]  }
0x65: {  	[tilespmem:$0x300] =	vst v4;
	vm5 =	vgt.s32 v2, $0x0  }
0x66: {  	v38 =	vld [tilespmem:$0x100];
	[tilespmem:$0x700] =	vst v4;
	v2 =	vnsel vm5, $0x0, v2  }
0x67: {  	vm6 =	vgt.s32 v36, $0x0;
	[tilespmem:$0x2E0] =	vst v2  }
0x68: {  	v44 =	vld [tilespmem:$0x330];
	[tilespmem:$0x6E0] =	vst v2;
	v2 =	vnsel vm6, $0x0, v36  }
0x69: {  	vm7 =	vgt.s32 v3, $0x0;
	[tilespmem:$0xF0] =	vst v2  }
0x6a: {  	v3 =	vnsel vm7, $0x0, v3;
	[tilespmem:$0x4F0] =	vst v2;
	v2 =	vld [tilespmem:$0x310]  }
0x6b: {  	vm8 =	vgt.s32 v38, $0x0;
	[tilespmem:$0x2F0] =	vst v3  }
0x6c: {  	v41 =	vld [tilespmem:$0x120];
	[tilespmem:$0x6F0] =	vst v3;
	v3 =	vnsel vm8, $0x0, v38  }
0x6d: {  	vm15 =	vgt.s32 v44, $0x0;
	[tilespmem:$0x100] =	vst v3  }
0x6e: {  	v4 =	vnsel vm15, $0x0, v44;
	[tilespmem:$0x500] =	vst v3;
	v3 =	vld [tilespmem:$0x320]  }
0x6f: {  	[tilespmem:$0x330] =	vst v4;
	vm11 =	vgt.s32 v2, $0x0  }
0x70: {  	v43 =	vld [tilespmem:$0x130];
	[tilespmem:$0x730] =	vst v4;
	v2 =	vnsel vm11, $0x0, v2  }
0x71: {  	vm12 =	vgt.s32 v41, $0x0;
	[tilespmem:$0x310] =	vst v2  }
0x72: {  	v49 =	vld [tilespmem:$0x360];
	[tilespmem:$0x710] =	vst v2;
	v2 =	vnsel vm12, $0x0, v41  }
0x73: {  	vm13 =	vgt.s32 v3, $0x0;
	[tilespmem:$0x120] =	vst v2  }
0x74: {  	v3 =	vnsel vm13, $0x0, v3;
	[tilespmem:$0x520] =	vst v2;
	v2 =	vld [tilespmem:$0x340]  }
0x75: {  	vm14 =	vgt.s32 v43, $0x0;
	[tilespmem:$0x320] =	vst v3  }
0x76: {  	v46 =	vld [tilespmem:$0x150];
	[tilespmem:$0x720] =	vst v3;
	v3 =	vnsel vm14, $0x0, v43  }
0x77: {  	vm9 =	vgt.s32 v49, $0x0;
	[tilespmem:$0x130] =	vst v3  }
0x78: {  	v4 =	vnsel vm9, $0x0, v49;
	[tilespmem:$0x530] =	vst v3;
	v3 =	vld [tilespmem:$0x350]  }
0x79: {  	[tilespmem:$0x360] =	vst v4;
	vm5 =	vgt.s32 v2, $0x0  }
0x7a: {  	v48 =	vld [tilespmem:$0x160];
	[tilespmem:$0x760] =	vst v4;
	v2 =	vnsel vm5, $0x0, v2  }
0x7b: {  	vm6 =	vgt.s32 v46, $0x0;
	[tilespmem:$0x340] =	vst v2  }
0x7c: {  	v54 =	vld [tilespmem:$0x390];
	[tilespmem:$0x740] =	vst v2;
	v2 =	vnsel vm6, $0x0, v46  }
0x7d: {  	vm7 =	vgt.s32 v3, $0x0;
	[tilespmem:$0x150] =	vst v2  }
0x7e: {  	v3 =	vnsel vm7, $0x0, v3;
	[tilespmem:$0x550] =	vst v2;
	v2 =	vld [tilespmem:$0x370]  }
0x7f: {  	vm8 =	vgt.s32 v48, $0x0;
	[tilespmem:$0x350] =	vst v3  }
0x80: {  	v51 =	vld [tilespmem:$0x180];
	[tilespmem:$0x750] =	vst v3;
	v3 =	vnsel vm8, $0x0, v48  }
0x81: {  	vm15 =	vgt.s32 v54, $0x0;
	[tilespmem:$0x160] =	vst v3  }
0x82: {  	v4 =	vnsel vm15, $0x0, v54;
	[tilespmem:$0x560] =	vst v3;
	v3 =	vld [tilespmem:$0x380]  }
0x83: {  	[tilespmem:$0x390] =	vst v4;
	vm11 =	vgt.s32 v2, $0x0  }
0x84: {  	v53 =	vld [tilespmem:$0x190];
	[tilespmem:$0x790] =	vst v4;
	v2 =	vnsel vm11, $0x0, v2  }
0x85: {  	vm12 =	vgt.s32 v51, $0x0;
	[tilespmem:$0x370] =	vst v2  }
0x86: {  	v59 =	vld [tilespmem:$0x3C0];
	[tilespmem:$0x770] =	vst v2;
	v2 =	vnsel vm12, $0x0, v51  }
0x87: {  	vm13 =	vgt.s32 v3, $0x0;
	[tilespmem:$0x180] =	vst v2  }
0x88: {  	v3 =	vnsel vm13, $0x0, v3;
	[tilespmem:$0x580] =	vst v2;
	v2 =	vld [tilespmem:$0x3A0]  }
0x89: {  	vm14 =	vgt.s32 v53, $0x0;
	[tilespmem:$0x380] =	vst v3  }
0x8a: {  	v56 =	vld [tilespmem:$0x1B0];
	[tilespmem:$0x780] =	vst v3;
	v3 =	vnsel vm14, $0x0, v53  }
0x8b: {  	vm9 =	vgt.s32 v59, $0x0;
	[tilespmem:$0x190] =	vst v3  }
0x8c: {  	v4 =	vnsel vm9, $0x0, v59;
	[tilespmem:$0x590] =	vst v3;
	v3 =	vld [tilespmem:$0x3B0]  }
0x8d: {  	[tilespmem:$0x3C0] =	vst v4;
	vm5 =	vgt.s32 v2, $0x0  }
0x8e: {  	v58 =	vld [tilespmem:$0x1C0];
	[tilespmem:$0x7C0] =	vst v4;
	v2 =	vnsel vm5, $0x0, v2  }
0x8f: {  	vm6 =	vgt.s32 v56, $0x0;
	[tilespmem:$0x3A0] =	vst v2  }
0x90: {  	v60 =	vld [tilespmem:$0x1D0];
	[tilespmem:$0x7A0] =	vst v2;
	v2 =	vnsel vm6, $0x0, v56  }
0x91: {  	vm7 =	vgt.s32 v3, $0x0;
	[tilespmem:$0x1B0] =	vst v2  }
0x92: {  	v3 =	vnsel vm7, $0x0, v3;
	[tilespmem:$0x5B0] =	vst v2;
	v2 =	vld [tilespmem:$0x3D0]  }
0x93: {  	vm8 =	vgt.s32 v58, $0x0;
	[tilespmem:$0x3B0] =	vst v3  }
0x94: {  	v61 =	vld [tilespmem:$0x1E0];
	[tilespmem:$0x7B0] =	vst v3;
	v3 =	vnsel vm8, $0x0, v58  }
0x95: {  	vm10 =	vgt.s32 v60, $0x0;
	[tilespmem:$0x1C0] =	vst v3  }
0x96: {  	v62 =	vld [tilespmem:$0x3E0];
	[tilespmem:$0x5C0] =	vst v3;
	v3 =	vnsel vm10, $0x0, v60  }
0x97: {  	[tilespmem:$0x1D0] =	vst v3;
	vm11 =	vgt.s32 v2, $0x0  }
0x98: {  	[tilespmem:$0x5D0] =	vst v3;
	v3 =	vld [tilespmem:$0x3F0];
	v2 =	vnsel vm11, $0x0, v2  }
0x99: {  	vm12 =	vgt.s32 v61, $0x0;
	[tilespmem:$0x3D0] =	vst v2  }
0x9a: {  	v63 =	vld [tilespmem:$0x1F0];
	[tilespmem:$0x7D0] =	vst v2;
	v2 =	vnsel vm12, $0x0, v61  }
0x9b: {  	vm13 =	vgt.s32 v62, $0x0;
	[tilespmem:$0x1E0] =	vst v2  }
0x9c: {  	[tilespmem:$0x5E0] =	vst v2;
	v2 =	vnsel vm13, $0x0, v62  }
0x9d: {  	vm15 =	vgt.s32 v3, $0x0;
	[tilespmem:$0x3E0] =	vst v2  }
0x9e: {  	v3 =	vnsel vm15, $0x0, v3;
	[tilespmem:$0x7E0] =	vst v2  }
0x9f: {  	vm14 =	vgt.s32 v63, $0x0;
	[tilespmem:$0x3F0] =	vst v3  }
0xa0: {  	v2 =	vnsel vm14, $0x0, v63;
	[tilespmem:$0x7F0] =	vst v3  }
0xa1: {  	[tilespmem:$0x1F0] =	vst v2  }
0xa2: {  	[tilespmem:$0x5F0] =	vst v2  }
0xa3: {  	[tilespmem:s13], [sflag:$0x1] =	stream.indirect.gather [hbm4b:s6+s11], $0x21, s12, s11, $0xb8;
	[tilespmem:$0x13800] =	vst v63  }
0xa4: {  	_ = 	snop  }
0xa5: {  	[tilespmem:s15], [sflag:$0x2] =	stream.indirect.gather [hbm4b:s1+s11], $0x21, s14, s11, $0xb8;
	[tilespmem:$0x13800] =	vst v63  }
0xa6: {  	_ = 	snop  }
0xa7: {  	[tilespmem:s17], [sflag:$0x1] =	stream.indirect.gather [hbm4b:s6+s11], $0x21, s16, s11, $0xb8;
	[tilespmem:$0x13800] =	vst v63  }
0xa8: {  	_ = 	snop  }
0xa9: {  	[tilespmem:s19], [sflag:$0x2] =	stream.indirect.gather [hbm4b:s1+s11], $0x21, s18, s11, $0xb8;
	[tilespmem:$0x13800] =	vst v63  }
0xaa: {  	_ = 	snop  }
0xab: {  	[tilespmem:s21], [sflag:$0x1] =	stream.indirect.gather [hbm4b:s6+s11], $0x21, s20, s11, $0xb8;
	[tilespmem:$0x13800] =	vst v63  }
0xac: {  	_ = 	snop  }
0xad: {  	[tilespmem:s23], [sflag:$0x2] =	stream.indirect.gather [hbm4b:s1+s11], $0x21, s22, s11, $0xb8;
	[tilespmem:$0x13800] =	vst v63  }
0xae: {  	_ = 	snop  }
0xaf: {  	[tilespmem:s25], [sflag:$0x1] =	stream.indirect.gather [hbm4b:s6+s11], $0x21, s24, s11, $0xb8;
	[tilespmem:$0x13800] =	vst v63  }
0xb0: {  	_ = 	snop  }
0xb1: {  	[tilespmem:s28], [sflag:$0x2] =	stream.indirect.gather [hbm4b:s1+s11], $0x21, s26, s11, $0xb8;
	[tilespmem:$0x13800] =	vst v63  }
0xb2: {  	_ =	swait.ge [sflag:s29], $0x1080  }
0xb3: {  	[sflag:s29] =	ssyncset.done $0x0  }
0xb4: {  	[sflag:s29] =	ssyncadd.s32 $0xFFFFEF80  }
0xb5: {  	_ =	swait.ge [sflag:s30], $0x1080  }
0xb6: {  	[sflag:s30] =	ssyncset.done $0x0  }
0xb7: {  	[sflag:s30] =	ssyncadd.s32 $0xFFFFEF80  }
0xb8: {  	_ =	swait.ge [sflag:s29], $0x1080  }
0xb9: {  	[sflag:s29] =	ssyncset.done $0x0  }
0xba: {  	[sflag:s29] =	ssyncadd.s32 $0xFFFFEF80  }
0xbb: {  	_ =	swait.ge [sflag:s30], $0x1080  }
0xbc: {  	[sflag:s30] =	ssyncset.done $0x0  }
0xbd: {  	[sflag:s30] =	ssyncadd.s32 $0xFFFFEF80  }
0xbe: {  	_ =	swait.ge [sflag:s29], $0x1080  }
0xbf: {  	[sflag:s29] =	ssyncset.done $0x0  }
0xc0: {  	[sflag:s29] =	ssyncadd.s32 $0xFFFFEF80  }
0xc1: {  	_ =	swait.ge [sflag:s30], $0x1080  }
0xc2: {  	[sflag:s30] =	ssyncset.done $0x0  }
0xc3: {  	[sflag:s30] =	ssyncadd.s32 $0xFFFFEF80  }
0xc4: {  	_ =	swait.ge [sflag:s29], $0x1080  }
0xc5: {  	[sflag:s29] =	ssyncset.done $0x0  }
0xc6: {  	[sflag:s29] =	ssyncadd.s32 $0xFFFFEF80  }
0xc7: {  	_ =	swait.ge [sflag:s30], $0x1080  }
0xc8: {  	[sflag:s30] =	ssyncset.done $0x0  }
0xc9: {  	s3 =	simm.s32 $0x0;
	[sflag:s30] =	ssyncadd.s32 $0xFFFFEF80  }
.LBB2_3:
0xca: {  	v4 =	vld [tilespmem:s0+$0x0];
	_ =	sdelay $0x4  }
0xcb: {  	v2 =	vxor.u32 $0x80000000, v4  }
0xcc: {  	(xrf0) =	vmin.scan.msk.u32 $0xffff, v2;
	_ =	sdelay $0x5  }
0xcd: {  	v5 =	vor.u32 s3, v0;
	v2, _, _ =	vpop (xrf0)  }
0xce: {  	(v2sf) =	vpush v2, $0xF;
	v2 =	vmul.u32 $0x28, v5;
	_ =	sdelay $0x1  }
0xcf: {  	v6 =	vadd.s32 $0x20, v2;
	_ =	sdelay $0x3  }
0xd0: {  	v3 =	vld [tilespmem:s2+$0x0]  }
0xd1: {  	v7 =	vld.idx.msk [tilespmem:v6+s13+$0x0], $0xffff  }
0xd2: {  	v6 =	vld.idx.msk [tilespmem:v6+s15+$0x0], $0xffff  }
0xd3: {  	v5 =	vmul.u32 $0x48, v5;
	_ =	sdelay $0x1  }
0xd4: {  	v5 =	vadd.s32 $0x40, v5  }
0xd5: {  	vm1 =	vlt.s32 v4, $0x1;
	vm0 =	vlt.s32 v3, $0x1;
	vm2 =	vlt.s32 v4, $0x0  }
0xd6: {  	v4 =	vand.u32 v4, v3;
	v7 =	vsel vm1, $0x0, v7;
	v6 =	vsel vm0, $0x0, v6  }
0xd7: {  	vm15 =	vgt.s32 v4, $0xFFFFFFFF;
	v6 =	vsel vm2, v6, v7  }
0xd8: {  	v4 =	vnsel vm15, $0xC0400000, v6  }
0xd9: {  	s4 =	spop (v2sf);
	[tilespmem:v5+s31+$0x0] =	vst.idx.msk $0xffff, v4;
	v5 =	vor.u32 $0x1, v2  }
0xda: {  	v4 =	vor.u32 $0x2, v2;
	p0 =	sgt.u32 s4, $0x80000000  }
0xdb: {  	v6 =	vor.u32 @!p0 $0x3, v2  }
0xdc: {  	v7 =	vor.u32 @!p0 $0x4, v2  }
0xdd: {  	[tilespmem:v2+s13+$0x0] =	vst.idx.msk @!p0 vm1, v1;
	v8 =	vor.u32 @!p0 $0x5, v2  }
0xde: {  	v9 =	vor.u32 @!p0 $0x6, v2;
	[tilespmem:v5+s13+$0x0] =	vst.idx.msk @!p0 vm1, v1  }
0xdf: {  	v10 =	vor.u32 @!p0 $0x7, v2;
	[tilespmem:v4+s13+$0x0] =	vst.idx.msk @!p0 vm1, v1  }
0xe0: {  	[tilespmem:v6+s13+$0x0] =	vst.idx.msk @!p0 vm1, v1;
	v6 =	vadd.s32 @!p0 $0x8, v2  }
0xe1: {  	[tilespmem:v7+s13+$0x0] =	vst.idx.msk @!p0 vm1, v1;
	v7 =	vadd.s32 @!p0 $0x9, v2  }
0xe2: {  	[tilespmem:v8+s13+$0x0] =	vst.idx.msk @!p0 vm1, v1;
	v8 =	vadd.s32 @!p0 $0xA, v2  }
0xe3: {  	[tilespmem:v9+s13+$0x0] =	vst.idx.msk @!p0 vm1, v1;
	v9 =	vadd.s32 @!p0 $0xB, v2  }
0xe4: {  	v3 =	vxor.u32 $0x80000000, v3;
	[tilespmem:v10+s13+$0x0] =	vst.idx.msk @!p0 vm1, v1;
	v10 =	vadd.s32 @!p0 $0xC, v2  }
0xe5: {  	(xrf0) =	vmin.scan.msk.u32 $0xffff, v3;
	[tilespmem:v6+s13+$0x0] =	vst.idx.msk @!p0 vm1, v1;
	v6 =	vadd.s32 @!p0 $0xD, v2  }
0xe6: {  	[tilespmem:v7+s13+$0x0] =	vst.idx.msk @!p0 vm1, v1;
	v7 =	vadd.s32 @!p0 $0xE, v2  }
0xe7: {  	[tilespmem:v8+s13+$0x0] =	vst.idx.msk @!p0 vm1, v1;
	v8 =	vadd.s32 @!p0 $0xF, v2  }
0xe8: {  	[tilespmem:v9+s13+$0x0] =	vst.idx.msk @!p0 vm1, v1;
	v9 =	vadd.s32 @!p0 $0x10, v2  }
0xe9: {  	[tilespmem:v10+s13+$0x0] =	vst.idx.msk @!p0 vm1, v1;
	v10 =	vadd.s32 @!p0 $0x11, v2  }
0xea: {  	[tilespmem:v6+s13+$0x0] =	vst.idx.msk @!p0 vm1, v1;
	v6 =	vadd.s32 @!p0 $0x12, v2  }
0xeb: {  	v3, _, _ =	vpop (xrf0);
	[tilespmem:v7+s13+$0x0] =	vst.idx.msk @!p0 vm1, v1;
	v7 =	vadd.s32 @!p0 $0x13, v2  }
0xec: {  	(v2sf) =	vpush v3, $0xF;
	[tilespmem:v8+s13+$0x0] =	vst.idx.msk @!p0 vm1, v1;
	v8 =	vadd.s32 @!p0 $0x14, v2  }
0xed: {  	[tilespmem:v9+s13+$0x0] =	vst.idx.msk @!p0 vm1, v1;
	v9 =	vadd.s32 @!p0 $0x15, v2  }
0xee: {  	[tilespmem:v10+s13+$0x0] =	vst.idx.msk @!p0 vm1, v1;
	v10 =	vadd.s32 @!p0 $0x16, v2  }
0xef: {  	[tilespmem:v6+s13+$0x0] =	vst.idx.msk @!p0 vm1, v1;
	v6 =	vadd.s32 @!p0 $0x17, v2  }
0xf0: {  	[tilespmem:v7+s13+$0x0] =	vst.idx.msk @!p0 vm1, v1;
	v7 =	vadd.s32 @!p0 $0x18, v2  }
0xf1: {  	[tilespmem:v8+s13+$0x0] =	vst.idx.msk @!p0 vm1, v1;
	v8 =	vadd.s32 @!p0 $0x19, v2  }
0xf2: {  	[tilespmem:v9+s13+$0x0] =	vst.idx.msk @!p0 vm1, v1;
	v9 =	vadd.s32 @!p0 $0x1A, v2  }
0xf3: {  	[tilespmem:v10+s13+$0x0] =	vst.idx.msk @!p0 vm1, v1;
	v10 =	vadd.s32 @!p0 $0x1B, v2  }
0xf4: {  	[tilespmem:v6+s13+$0x0] =	vst.idx.msk @!p0 vm1, v1;
	v6 =	vadd.s32 @!p0 $0x1C, v2  }
0xf5: {  	[tilespmem:v7+s13+$0x0] =	vst.idx.msk @!p0 vm1, v1;
	v7 =	vadd.s32 @!p0 $0x1D, v2  }
0xf6: {  	[tilespmem:v8+s13+$0x0] =	vst.idx.msk @!p0 vm1, v1;
	v8 =	vadd.s32 @!p0 $0x1E, v2  }
0xf7: {  	[tilespmem:v9+s13+$0x0] =	vst.idx.msk @!p0 vm1, v1;
	v9 =	vadd.s32 @!p0 $0x1F, v2  }
0xf8: {  	[tilespmem:v10+s13+$0x0] =	vst.idx.msk @!p0 vm1, v1  }
0xf9: {  	[tilespmem:v6+s13+$0x0] =	vst.idx.msk @!p0 vm1, v1  }
0xfa: {  	[tilespmem:v7+s13+$0x0] =	vst.idx.msk @!p0 vm1, v1  }
0xfb: {  	s4 =	spop (v2sf);
	[tilespmem:v8+s13+$0x0] =	vst.idx.msk @!p0 vm1, v1  }
0xfc: {  	[tilespmem:v9+s13+$0x0] =	vst.idx.msk @!p0 vm1, v1;
	p0 =	sgt.u32 s4, $0x80000000  }
0xfd: {  	v3 =	vor.u32 @!p0 $0x3, v2  }
0xfe: {  	v6 =	vor.u32 @!p0 $0x4, v2  }
0xff: {  	[tilespmem:v2+s15+$0x0] =	vst.idx.msk @!p0 vm0, v1;
	v7 =	vor.u32 @!p0 $0x5, v2  }
0x100: {  	[tilespmem:v5+s15+$0x0] =	vst.idx.msk @!p0 vm0, v1;
	v5 =	vor.u32 @!p0 $0x6, v2  }
0x101: {  	[tilespmem:v4+s15+$0x0] =	vst.idx.msk @!p0 vm0, v1;
	v4 =	vor.u32 @!p0 $0x7, v2  }
0x102: {  	[tilespmem:v3+s15+$0x0] =	vst.idx.msk @!p0 vm0, v1;
	v3 =	vadd.s32 @!p0 $0x8, v2  }
0x103: {  	[tilespmem:v6+s15+$0x0] =	vst.idx.msk @!p0 vm0, v1;
	v6 =	vadd.s32 @!p0 $0x9, v2  }
0x104: {  	[tilespmem:v7+s15+$0x0] =	vst.idx.msk @!p0 vm0, v1;
	v7 =	vadd.s32 @!p0 $0xA, v2  }
0x105: {  	[tilespmem:v5+s15+$0x0] =	vst.idx.msk @!p0 vm0, v1;
	v5 =	vadd.s32 @!p0 $0xB, v2  }
0x106: {  	[tilespmem:v4+s15+$0x0] =	vst.idx.msk @!p0 vm0, v1;
	v4 =	vadd.s32 @!p0 $0xC, v2  }
0x107: {  	[tilespmem:v3+s15+$0x0] =	vst.idx.msk @!p0 vm0, v1;
	v3 =	vadd.s32 @!p0 $0xD, v2  }
0x108: {  	[tilespmem:v6+s15+$0x0] =	vst.idx.msk @!p0 vm0, v1;
	v6 =	vadd.s32 @!p0 $0xE, v2  }
0x109: {  	[tilespmem:v7+s15+$0x0] =	vst.idx.msk @!p0 vm0, v1;
	v7 =	vadd.s32 @!p0 $0xF, v2  }
0x10a: {  	[tilespmem:v5+s15+$0x0] =	vst.idx.msk @!p0 vm0, v1;
	v5 =	vadd.s32 @!p0 $0x10, v2  }
0x10b: {  	[tilespmem:v4+s15+$0x0] =	vst.idx.msk @!p0 vm0, v1;
	v4 =	vadd.s32 @!p0 $0x11, v2  }
0x10c: {  	[tilespmem:v3+s15+$0x0] =	vst.idx.msk @!p0 vm0, v1;
	v3 =	vadd.s32 @!p0 $0x12, v2  }
0x10d: {  	[tilespmem:v6+s15+$0x0] =	vst.idx.msk @!p0 vm0, v1;
	v6 =	vadd.s32 @!p0 $0x13, v2  }
0x10e: {  	[tilespmem:v7+s15+$0x0] =	vst.idx.msk @!p0 vm0, v1;
	v7 =	vadd.s32 @!p0 $0x14, v2  }
0x10f: {  	[tilespmem:v5+s15+$0x0] =	vst.idx.msk @!p0 vm0, v1;
	v5 =	vadd.s32 @!p0 $0x15, v2  }
0x110: {  	[tilespmem:v4+s15+$0x0] =	vst.idx.msk @!p0 vm0, v1;
	v4 =	vadd.s32 @!p0 $0x16, v2  }
0x111: {  	[tilespmem:v3+s15+$0x0] =	vst.idx.msk @!p0 vm0, v1;
	v3 =	vadd.s32 @!p0 $0x17, v2  }
0x112: {  	[tilespmem:v6+s15+$0x0] =	vst.idx.msk @!p0 vm0, v1;
	v6 =	vadd.s32 @!p0 $0x18, v2  }
0x113: {  	[tilespmem:v7+s15+$0x0] =	vst.idx.msk @!p0 vm0, v1;
	v7 =	vadd.s32 @!p0 $0x19, v2  }
0x114: {  	[tilespmem:v5+s15+$0x0] =	vst.idx.msk @!p0 vm0, v1;
	v5 =	vadd.s32 @!p0 $0x1A, v2  }
0x115: {  	[tilespmem:v4+s15+$0x0] =	vst.idx.msk @!p0 vm0, v1;
	v4 =	vadd.s32 @!p0 $0x1B, v2  }
0x116: {  	[tilespmem:v3+s15+$0x0] =	vst.idx.msk @!p0 vm0, v1;
	v3 =	vadd.s32 @!p0 $0x1C, v2  }
0x117: {  	[tilespmem:v6+s15+$0x0] =	vst.idx.msk @!p0 vm0, v1;
	v6 =	vadd.s32 @!p0 $0x1D, v2  }
0x118: {  	[tilespmem:v7+s15+$0x0] =	vst.idx.msk @!p0 vm0, v1;
	v7 =	vadd.s32 @!p0 $0x1E, v2  }
0x119: {  	v2 =	vadd.s32 @!p0 $0x1F, v2;
	[tilespmem:v5+s15+$0x0] =	vst.idx.msk @!p0 vm0, v1  }
0x11a: {  	[tilespmem:v4+s15+$0x0] =	vst.idx.msk @!p0 vm0, v1  }
0x11b: {  	[tilespmem:v3+s15+$0x0] =	vst.idx.msk @!p0 vm0, v1  }
0x11c: {  	[tilespmem:v6+s15+$0x0] =	vst.idx.msk @!p0 vm0, v1  }
0x11d: {  	s3 =	sadd.s32 $0x10, s3;
	[tilespmem:v7+s15+$0x0] =	vst.idx.msk @!p0 vm0, v1  }
0x11e: {  	[tilespmem:v2+s15+$0x0] =	vst.idx.msk @!p0 vm0, v1;
	p0 =	sne.s32 s3, $0x200  }
.Ltmp0:
0x11f: {  	_ = 	snop;
	(pc) =	sbr.rel @p0 .LBB2_3-.Ltmp0, $2  }
0x120: {  	_ =	sdelay $0x2  }
0x121: {  	s0 =	sadd.s32 $0x10, s0;
	s2 =	sadd.s32 $0x10, s2  }
0x122: {  	s2 =	simm.s32 $0x0  }
0x123: {  	v2 =	vld [tilespmem:s2+$0x800];
	_ =	sdelay $0x3  }
0x124: {  	s0 =	simm.s32 $0xA820  }
0x125: {  	[tilespmem:s0+$0xFFFFFFE0] =	vst v2  }
0x126: {  	v2 =	vld [tilespmem:s2+$0x810];
	_ =	sdelay $0x4  }
0x127: {  	[tilespmem:s0+$0xFFFFFFF0] =	vst v2  }
0x128: {  	v2 =	vld [tilespmem:s2+$0x5800];
	_ =	sdelay $0x4  }
0x129: {  	[tilespmem:s0+$0x0] =	vst v2  }
0x12a: {  	v2 =	vld [tilespmem:s2+$0x5810];
	_ =	sdelay $0x4  }
0x12b: {  	s3 =	simm.s32 $0x140;
	s2 =	simm.s32 $0x28;
	[tilespmem:s0+$0x10] =	vst v2  }
.LBB2_5:
0x12c: {  	p0 =	sne.s32 s3, $0x13F60;
	v2 =	vld [tilespmem:s2+$0x800];
	_ =	sdelay $0x3  }
0x12d: {  	s0 =	sadd.s32 $0x48, s0  }
0x12e: {  	[tilespmem:s0+$0xFFFFFFE0] =	vst v2  }
0x12f: {  	v2 =	vld [tilespmem:s2+$0x810];
	_ =	sdelay $0x4  }
0x130: {  	[tilespmem:s0+$0xFFFFFFF0] =	vst v2  }
0x131: {  	v2 =	vld [tilespmem:s2+$0x5800];
	_ =	sdelay $0x4  }
0x132: {  	[tilespmem:s0+$0x0] =	vst v2  }
0x133: {  	v2 =	vld [tilespmem:s2+$0x5810]  }
.Ltmp1:
0x134: {  	(pc) =	sbr.rel @p0 .LBB2_5-.Ltmp1, $2  }
0x135: {  	_ =	sdelay $0x2  }
0x136: {  	s2 =	sshra.s32 s3, $0x2;
	s3 =	sadd.s32 $0xA0, s3;
	[tilespmem:s0+$0x10] =	vst v2  }
0x137: {  	v2 =	vld [tilespmem:s2+$0x800];
	_ =	sdelay $0x3  }
0x138: {  	s0 =	sadd.s32 $0x48, s0  }
0x139: {  	[tilespmem:s0+$0xFFFFFFE0] =	vst v2  }
0x13a: {  	v2 =	vld [tilespmem:s2+$0x810];
	_ =	sdelay $0x4  }
0x13b: {  	[tilespmem:s0+$0xFFFFFFF0] =	vst v2  }
0x13c: {  	v2 =	vld [tilespmem:s2+$0x5800];
	_ =	sdelay $0x4  }
0x13d: {  	[tilespmem:s0+$0x0] =	vst v2  }
0x13e: {  	v2 =	vld [tilespmem:s2+$0x5810];
	_ =	sdelay $0x2  }
0x13f: {  	s3 =	smul.u32 $0x9, s9;
	s5 =	sadd.s32 $0x1, s5  }
0x140: {  	p0 =	sne.s32 s5, $0x20  }
.Ltmp2:
0x141: {  	s9 =	simm.s32 $0x0;
	s4 =	sadd.s32 s7, s3;
	[tilespmem:s0+$0x10] =	vst v2;
	(pc) =	sbr.rel @p0 .LBB2_2-.Ltmp2, $4  }
0x142: {  	[hbm4b:s4+s9] =	stream.linear.scatter [tilespmem:s31], [sflag:$0x3], $0x9000, $0x38;
	[tilespmem:$0x13800] =	vst v63  }
0x143: {  	_ =	swait.ge [sflag:s10], $0x9000  }
0x144: {  	[sflag:s10] =	ssyncset.done $0x0  }
0x145: {  	[sflag:s10] =	ssyncadd.s32 $0xFFFF7000  }
0x146: {  	s2 =	rddreg [dreg:$0x6]  }
0x147: {  	s0 =	rddreg [dreg:$0x5];
	s2 =	sadd.s32 $0x1, s2  }
0x148: {  	p0 =	sne.s32 s2, s0  }
.Ltmp3:
0x149: {  	_ = 	snop;
	(pc) =	sbr.rel @p0 .LBB2_1-.Ltmp3, $1  }
0x14a: {  	_ =	sdelay $0x3  }
0x14b: {  	_ =	sfence.sel $0x180000  }
0x14c: {  	[bflag:$0x0] =	sbarrier.arrive $0xFFFF  }
0x14d: {  	_ =	strace $0x90000047  }
0x14e: {  	s0 =	stileid.u32;
	[bflag:$0x2] =	sbarrier.arrive $0xFFFF  }
0x14f: {  	p0 =	sne.s32 s0, $0x0;
	s0 =	rddreg [dreg:$0x4]  }
0x150: {  	s0 =	sadd.s32 @!p0 $0x100000, s0  }
0x151: {  	[sflag:s0] =	ssyncadd.tile.s32 @!p0 $0x1;
	_ =	shalt  }
.Lfunc_end2:
_tile_overlayer_lowered:
.L_overlay_start_2:
0x152: {  	(tag) =	ssettag $0x2  }
0x153: {  	s0 =	rddreg [dreg:$0x0];
	s2 =	stileid.u32  }
0x154: {  	s1 =	rddreg [dreg:$0x1];
	p0 =	sne.s32 s2, $0x0  }
0x155: {  	s3 =	rddreg [dreg:$0x2];
	[bflag:$0x3] =	sbarrier.arrive $0xFFFF;
	s2 =	simm.s32 @!p0 $0x1C03  }
0x156: {  	[timem:s3], [sflag:s2] =	dma.local @!p0 [hbm:s0], s1  }
0x157: {  	s0 =	simm.s32 @!p0 $0x3  }
0x158: {  	_ =	swait.ge @!p0 [sflag:s0], s1  }
0x159: {  	s1 =	ssub.s32 @!p0 $0x0, s1;
	[sflag:s0] =	ssyncset.done @!p0 $0x0  }
0x15a: {  	[sflag:s0] =	ssyncadd.s32 @!p0 s1  }
0x15b: {  	[bflag:$0x3] =	sbarrier.arrive $0xFFFF  }
0x15c: {  	_ =	shalt  }

// kernel: sparse-core-data-format-call.cloned.1.call-start
scs
called_computation_lowered:
.L_overlay_start_0:
0x0: {  	s2 =	sld [smem:$0x3FD9]  }
0x1: {  	s3 =	sld [smem:$0x3FFE];
	_ =	sdelay $0x1  }
0x2: {  	s1 =	srdreg.scid  }
0x3: {  	s0 =	sand.u32 $0x1, s1  }
0x4: {  	s18 =	sshll.u32 s0, $0xA;
	s2 =	sadd.s32 s3, s2  }
0x5: {  	s2 =	sadd.s32 s2, s18  }
0x6: {  	[smem:$0x3FC4] =	sst s2  }
0x7: {  	_ = 	snop  }
0x8: {  	s2 =	sld [smem:$0x3FD0];
	(tm) =	ssettm $0x1  }
0x9: {  	s19 =	sld [smem:$0x3FFB];
	_ =	sdelay $0x3  }
0xa: {  	_ =	strace s19  }
0xb: {  	s3 =	sld [smem:$0x3FFC];
	_ =	sdelay $0x3  }
0xc: {  	_ =	strace s3  }
0xd: {  	s3 =	sld [smem:$0x3FFD];
	_ =	sdelay $0x3  }
0xe: {  	_ =	strace s3  }
0xf: {  	_ =	strace $0x8FFFFFFF  }
0x10: {  	s20 =	sld [smem:$0x3FDB];
	_ =	sdelay $0x1  }
0x11: {  	s4 =	simm.s32 $_scs_section_size  }
0x12: {  	s5 =	simm.s32 $_size__tile_overlayer_lowered;
	s6 =	simm.s32 $_tile_overlayer_lowered  }
0x13: {  	s23 =	simm.s32 $0x1BFF;
	s22 =	sshll.u32 s6, $0x1;
	s3 =	sadd.s32 s4, s20  }
0x14: {  	s7 =	simm.s32 $0x0;
	s21 =	sshll.u32 s5, $0x1;
	s5 =	sadd.s32 s22, s3  }
0x15: {  	[timem:s7], [sflag:s23] =	dma.local [hbm:s5], s21  }
0x16: {  	_ =	swait.ge [sflag:s23], s21  }
0x17: {  	s4 =	ssub.s32 $0x0, s21;
	[sflag:s23] =	ssyncset.done $0x0  }
0x18: {  	[sflag:s23] =	ssyncadd.s32 s4;
	_ =	sdelay $0x1  }
0x19: {  	s24 =	simm.s32 $0x1B8B  }
0x1a: {  	_ =	swait.ge [sflag:s24], $0x1  }
0x1b: {  	[sflag:s24] =	ssyncset.done $0x0  }
0x1c: {  	s26 =	simm.s32 $0x1B8E;
	s25 =	sld [smem:$0x3FFE];
	[sflag:s24] =	ssyncadd.s32 $0xFFFFFFFF  }
0x1d: {  	s27 =	simm.s32 $execute0_lowered;
	[smem:$0x3FD2] =	sst s26  }
0x1e: {  	s5 =	sshll.u32 s27, $0x1;
	_ =	strace $0x80000049;
	[dreg:$0x1] =	wrdreg $0xFFFFFFFF  }
0x1f: {  	s28 =	simm.s32 $_size_execute0_lowered;
	s3 =	sadd.s32 s3, s5;
	[dreg:$0x0] =	wrdreg $0x0  }
0x20: {  	s5 =	sshll.u32 s28, $0x1;
	[dreg:$0x2] =	wrdreg s3  }
0x21: {  	[dreg:$0x3] =	wrdreg s5  }
0x22: {  	[dreg:$0x4] =	wrdreg $0xC0  }
0x23: {  	_ =	task [dreg:s7], $0x5FFFF  }
0x24: {  	[dreg:$0x1] =	wrdreg $0xFFFFFFFF  }
0x25: {  	[dreg:$0x0] =	wrdreg $0x60  }
0x26: {  	[dreg:$0x2] =	wrdreg s25  }
0x27: {  	[dreg:$0x3] =	wrdreg s2  }
0x28: {  	[dreg:$0x4] =	wrdreg $0x9  }
0x29: {  	_ =	task.clear_ibuf [dreg:s7], $0x5FFFF;
	_ =	strace $0x90000049  }
0x2a: {  	s29 =	simm.s32 $0x9;
	_ =	strace $0x8000004B  }
0x2b: {  	_ =	swait.ge [sflag:s29], $0x1  }
0x2c: {  	[sflag:s29] =	ssyncadd.s32 $0xFFFFFFFF  }
0x2d: {  	_ =	strace $0x9000004B  }
0x2e: {  	_ =	sfence  }
0x2f: {  	s30 =	sld [smem:$0x0];
	_ =	sdelay $0x2  }
0x30: {  	s31 =	sshll.u32 s1, $0xD;
	s1 =	sshrl.u32 s1, $0x2  }
0x31: {  	s3 =	sand.u32 $0x4000, s31;
	s1 =	sadd.s32 s1, s30  }
0x32: {  	s0 =	sor.u32 s3, s0;
	s1 =	sshll.u32 s1, $0x11  }
0x33: {  	s0 =	sor.u32 s1, s0  }
0x34: {  	s0 =	sadd.s32 $0x8F2B, s0  }
0x35: {  	[sflag:s0] =	ssyncadd.remote.s32 $0x1  }
0x36: {  	_ =	sfence.sel $0xFFFF  }
0x37: {  	[dreg:$0x0] =	wrdreg $0xFFFFFFFF;
	(pc) =	sbr.abs _section_cstart, $3  }
0x38: {  	[dreg:$0x1] =	wrdreg $0xFFFFFFFF  }
0x39: {  	_ =	task.clear_ibuf [dreg:s7], $0x2FFFF;
	_ =	strace $0x9FFFFFFF  }
0x3a: {  	(tm) =	ssettm $0x7FFFFFFF  }
0x3b: {  	_ =	shalt  }
tec
execute0_lowered:
.L_overlay_start_1:
0x0: {  	(tag) =	ssettag $0x1  }
0x1: {  	s0 =	srdreg.scid  }
0x2: {  	s5 =	rddreg [dreg:$0x0];
	s1 =	sshll.u32 s0, $0x4  }
0x3: {  	s2 =	rddreg [dreg:$0x1];
	s0 =	stileid.u32;
	s1 =	sand.u32 $0x10, s1  }
0x4: {  	s4 =	simm.s32 $0x1;
	s8 =	simm.s32 $0x2;
	s1 =	sor.u32 s0, s1  }
0x5: {  	s12 =	simm.s32 $0x0;
	s9 =	simm.s32 $0x0;
	s3 =	sshll.u32 s1, $0x7  }
0x6: {  	s11 =	simm.s32 $0x0;
	s5 =	sadd.s32 $0xA00, s5;
	s6 =	ssub.s32 $0x80000, s3  }
.Ltmp0:
0x7: {  	s1 =	rddreg [dreg:$0x2];
	s7 =	sand.u32 $0xF80, s6;
	(pc) =	sbr.rel .LBB1_1-.Ltmp0, $4  }
0x8: {  	_ =	strace $0x8000004A;
	p0 =	sne.s32 s7, $0x0;
	s7 =	simm.s32 $0x1  }
0x9: {  	[sflag:s4] =	ssyncpa.u1 $0x0;
	s6 =	sshrl.u32 s6, $0xC;
	s7 =	simm.s32 @!p0 $0x0  }
0xa: {  	s10 =	smov.u32 s3;
	[sflag:s8] =	ssyncpa.u1 $0x0;
	s6 =	sadd.s32 s7, s6  }
0xb: {  	s8 =	simm.s32 $0x80000;
	p0 =	por $0x0, $0x0;
	s7 =	sadd.s32 $0x1, s6  }
.LBB1_4:
0xc: {  	v5 =	vld [tilespmem:s15+$0xFFFFFFD0];
	[tilespmem:s16+$0x2040 ss:$0x81] =	vst.msk $0xffff, v1  }
0xd: {  	v58 =	vld [tilespmem:s15+$0xFFFFFFE0];
	[tilespmem:s16+$0x2850 ss:$0x81] =	vst.msk $0xffff, v2  }
0xe: {  	s17 =	sshra.s32 s17, $0x2;
	v59 =	vld [tilespmem:s15+$0xFFFFFFF0];
	[tilespmem:s16+$0x3060 ss:$0x81] =	vst.msk $0xffff, v3  }
0xf: {  	v60 =	vld [tilespmem:s15+$0x0];
	[tilespmem:s16+$0x0 ss:$0x81] =	vst.msk $0xffff, v0;
	s14 =	sadd.s32 s17, s14  }
0x10: {  	v61 =	vld [tilespmem:s15+$0x10];
	p1 =	sgt.s32 s9, $0x7FF80;
	s16 =	smov.u32 s9;
	s26 =	sshra.s32 s9, $0x1F;
	[tilespmem:s14+$0x3870 ss:$0x81] =	vst.msk $0xffff, v4  }
0x11: {  	v62 =	vld [tilespmem:s15+$0x20];
	s16 =	simm.s32 @!p1 $0x7FF80;
	s17 =	sand.u32 s26, s9;
	[tilespmem:s14+$0x810 ss:$0x81] =	vst.msk $0xffff, v5  }
0x12: {  	v63 =	vld [tilespmem:s15+$0xFFFFFFC0];
	s27 =	ssub.s32 s16, s17;
	[tilespmem:s14+$0x1020 ss:$0x81] =	vst.msk $0xffff, v58  }
0x13: {  	s16 =	ssub.s32 $0x80000, s27;
	[tilespmem:s14+$0x1830 ss:$0x81] =	vst.msk $0xffff, v59  }
0x14: {  	s29 =	sand.u32 $0x7, s9;
	s16 =	smul.u32 $0x41, s16;
	[tilespmem:s14+$0x2040 ss:$0x81] =	vst.msk $0xffff, v60  }
0x15: {  	s28 =	sshrl.u32 s9, $0x3;
	s17 =	sshll.u32 s29, $0x12;
	s15 =	sadd.s32 $0xFFF80080, s27;
	[tilespmem:s14+$0x2850 ss:$0x81] =	vst.msk $0xffff, v61  }
0x16: {  	p1 =	sgt.s32 s15, $0x7F;
	s15 =	sand.u32 $0xFFFF, s28;
	[tilespmem:s14+$0x3060 ss:$0x81] =	vst.msk $0xffff, v62;
	s16 =	sand.u32 $0x3FFFFFFF, s16  }
0x17: {  	s31 =	sor.u32 $0x80, s17;
	[tilespmem:s14+$0x0 ss:$0x81] =	vst.msk $0xffff, v63;
	s30 =	sadd.s32 s2, s15;
	s16 =	simm.s32 @p1 $0x0  }
0x18: {  	[hbm4b:s30+s31] =	stream.strided.scatter [tilespmem:s13], [sflag:$0x2], s16, s8, s31, $0x20;
	[tilespmem:$0x10100] =	vst v63  }
.LBB1_5:
0x19: {  	p1 =	slt.u32 s11, $0x2  }
0x1a: {  	p2 =	sgt.s32 @!p1 s12, $0x7FF80  }
0x1b: {  	s13 =	smov.u32 s12;
	s14 =	sshra.s32 @!p1 s12, $0x1F;
	p2 =	por !p2, p1  }
0x1c: {  	s12 =	sand.u32 @!p1 s14, s12;
	s13 =	simm.s32 @p2 $0x7FF80  }
0x1d: {  	s12 =	ssub.s32 @!p1 s13, s12  }
0x1e: {  	s13 =	ssub.s32 @!p1 $0x80000, s12  }
0x1f: {  	s12 =	sadd.s32 @!p1 $0xFFF80080, s12;
	s13 =	smul.u32 @!p1 $0x41, s13  }
0x20: {  	p2 =	sgt.s32 @!p1 s12, $0x7F  }
0x21: {  	s14 =	sadd.s32 $0x1000, s10;
	p2 =	por !p2, p1;
	s12 =	sand.u32 @!p1 $0x3FFFFFFF, s13  }
0x22: {  	s12 =	simm.s32 @!p2 $0x0;
	p2 =	sgt.s32 s14, $0x7FFFF  }
0x23: {  	s14 =	smov.u32 @p2 s3;
	p2 =	sne.s32 s11, s7  }
.Ltmp1:
0x24: {  	_ = 	snop;
	(pc) =	sbr.rel @!p2 .LBB1_6-.Ltmp1, $4  }
0x25: {  	s13 =	simm.s32 @!p1 $0x2  }
0x26: {  	p0 =	por !p0, !p0;
	_ =	swait.ge @!p1 [sflag:s13], s12;
	s15 =	ssub.s32 @!p1 $0x0, s12  }
0x27: {  	s12 =	smov.u32 s9;
	s11 =	sadd.s32 $0x1, s11;
	[sflag:s13] =	ssyncset.done @!p1 $0x0  }
0x28: {  	s9 =	smov.u32 s10;
	s10 =	smov.u32 s14;
	[sflag:s13] =	ssyncadd.s32 @!p1 s15  }
.LBB1_1:
0x29: {  	p1 =	sge.u32 s11, s6  }
0x2a: {  	s13 =	sxor.u32 @!p1 $0xFFFFFFFF, s11;
	s14 =	sshll.u32 @!p1 s10, $0x4  }
0x2b: {  	s31 =	sadd.s32 $0xFFFFFFFF, s11;
	s13 =	sshll.u32 @!p1 s13, $0xE;
	s14 =	sand.u32 @!p1 $0x7FFFF0, s14  }
0x2c: {  	s15 =	simm.s32 @!p1 $0x0;
	s13 =	sand.u32 @!p1 $0x4000, s13;
	s14 =	sadd.s32 @!p1 s5, s14  }
0x2d: {  	[tilespmem:s13], [sflag:$0x1] =	stream.linear.gather @!p1 [hbm4b:s14+s15], $0x4000, $0x38;
	[tilespmem:$0x10100] =	vst v63  }
0x2e: {  	p1 =	sge.u32 s31, s6  }
.Ltmp2:
0x2f: {  	_ = 	snop;
	(pc) =	sbr.rel @p1 .LBB1_5-.Ltmp2, $1  }
0x30: {  	_ =	sdelay $0x3  }
0x31: {  	s13 =	simm.s32 $0x1  }
0x32: {  	_ =	swait.ge [sflag:s4], $0x4000;
	s13 =	simm.s32 @!p0 $0x0  }
0x33: {  	[sflag:s4] =	ssyncset.done $0x0;
	s14 =	sshll.u32 s13, $0xE  }
0x34: {  	[sflag:s4] =	ssyncadd.s32 $0xFFFFC000;
	s15 =	sor.u32 $0x40, s14  }
0x35: {  	s13 =	smul.u32 $0x10200, s13;
	v0 =	vld [tilespmem:s15+$0x30]  }
0x36: {  	v3 =	vld [tilespmem:s15+$0xFFFFFFD0]  }
0x37: {  	s13 =	sshrl.u32 s13, $0x2;
	v4 =	vld [tilespmem:s15+$0xFFFFFFE0]  }
0x38: {  	v5 =	vld [tilespmem:s15+$0xFFFFFFF0];
	s14 =	sor.u32 $0x8000, s13  }
0x39: {  	s31 =	sand.u32 $0x1, s11;
	v1 =	vld [tilespmem:s15+$0x0];
	s16 =	sadd.s32 $0x0, s14  }
0x3a: {  	v2 =	vld [tilespmem:s15+$0x10];
	s13 =	smul.u32 $0x10200, s31;
	[tilespmem:s16+$0x3870 ss:$0x81] =	vst.msk $0xffff, v0  }
0x3b: {  	[tilespmem:s16+$0x810 ss:$0x81] =	vst.msk $0xffff, v3;
	v3 =	vld [tilespmem:s15+$0x20]  }
0x3c: {  	s13 =	sshrl.u32 s13, $0x2;
	v0 =	vld [tilespmem:s15+$0xFFFFFFC0];
	[tilespmem:s16+$0x1020 ss:$0x81] =	vst.msk $0xffff, v4;
	s15 =	sadd.s32 $0x80, s15  }
0x3d: {  	s17 =	simm.s32 $0x4;
	s18 =	simm.s32 $0x8;
	s13 =	sor.u32 $0x8000, s13;
	[tilespmem:s16+$0x1830 ss:$0x81] =	vst.msk $0xffff, v5;
	v4 =	vld [tilespmem:s15+$0x30]  }
.LBB1_3:
0x3e: {  	p1 =	sne.s32 s18, $0x1FC;
	v5 =	vld [tilespmem:s15+$0xFFFFFFD0];
	[tilespmem:s16+$0x2040 ss:$0x81] =	vst.msk $0xffff, v1  }
0x3f: {  	v6 =	vld [tilespmem:s15+$0xFFFFFFE0];
	[tilespmem:s16+$0x2850 ss:$0x81] =	vst.msk $0xffff, v2  }
0x40: {  	s19 =	sshra.s32 s17, $0x2;
	s17 =	smov.u32 s18;
	v7 =	vld [tilespmem:s15+$0xFFFFFFF0];
	[tilespmem:s16+$0x3060 ss:$0x81] =	vst.msk $0xffff, v3  }
.Ltmp3:
0x41: {  	v1 =	vld [tilespmem:s15+$0x0];
	[tilespmem:s16+$0x0 ss:$0x81] =	vst.msk $0xffff, v0;
	s16 =	sadd.s32 s19, s14;
	(pc) =	sbr.rel @p1 .LBB1_3-.Ltmp3, $4  }
0x42: {  	v2 =	vld [tilespmem:s15+$0x10];
	[tilespmem:s16+$0x3870 ss:$0x81] =	vst.msk $0xffff, v4  }
0x43: {  	[tilespmem:s16+$0x810 ss:$0x81] =	vst.msk $0xffff, v5;
	v3 =	vld [tilespmem:s15+$0x20]  }
0x44: {  	v0 =	vld [tilespmem:s15+$0xFFFFFFC0];
	[tilespmem:s16+$0x1020 ss:$0x81] =	vst.msk $0xffff, v6;
	s15 =	sadd.s32 $0x80, s15  }
0x45: {  	s18 =	sadd.s32 $0x4, s18;
	v4 =	vld [tilespmem:s15+$0x30];
	[tilespmem:s16+$0x1830 ss:$0x81] =	vst.msk $0xffff, v7  }
.Ltmp4:
0x46: {  	_ = 	snop;
	(pc) =	sbr.rel .LBB1_4-.Ltmp4, $1  }
0x47: {  	_ =	sdelay $0x3  }
.LBB1_6:
0x48: {  	_ =	sfence.sel $0x180000  }
0x49: {  	s2 =	simm.s32 $0x1;
	[bflag:$0x0] =	sbarrier.arrive $0xFFFF  }
0x4a: {  	s31 =	simm.s32 $0x2;
	[sflag:s2] =	ssyncpa.u1 $0x1  }
0x4b: {  	[sflag:s31] =	ssyncpa.u1 $0x1  }
0x4c: {  	p0 =	sne.s32 s0, $0x0;
	_ =	strace $0x9000004A  }
0x4d: {  	s0 =	sadd.s32 @!p0 $0x100000, s1;
	[bflag:$0x2] =	sbarrier.arrive $0xFFFF  }
0x4e: {  	[sflag:s0] =	ssyncadd.tile.s32 @!p0 $0x1;
	_ =	shalt  }
.Lfunc_end1:
_tile_overlayer_lowered:
.L_overlay_start_2:
0x4f: {  	(tag) =	ssettag $0x2  }
0x50: {  	s0 =	rddreg [dreg:$0x0];
	s2 =	stileid.u32  }
0x51: {  	s1 =	rddreg [dreg:$0x1];
	p0 =	sne.s32 s2, $0x0  }
0x52: {  	s3 =	rddreg [dreg:$0x2];
	[bflag:$0x3] =	sbarrier.arrive $0xFFFF;
	s2 =	simm.s32 @!p0 $0x1C01  }
0x53: {  	[timem:s3], [sflag:s2] =	dma.local @!p0 [hbm:s0], s1  }
0x54: {  	s0 =	simm.s32 @!p0 $0x1  }
0x55: {  	_ =	swait.ge @!p0 [sflag:s0], s1  }
0x56: {  	s1 =	ssub.s32 @!p0 $0x0, s1;
	[sflag:s0] =	ssyncset.done @!p0 $0x0  }
0x57: {  	[sflag:s0] =	ssyncadd.s32 @!p0 s1  }
0x58: {  	[bflag:$0x3] =	sbarrier.arrive $0xFFFF  }
0x59: {  	_ =	shalt  }

</sc_bundles>
